<compile_context>
chip_gen: v7x
topology: tpu7x:2x2x1
jax: 0.10.2.dev20260603
libtpu: 0.0.44.dev20260713+nightly
codegen_flags: <defaults>
</compile_context>

<pallas_src>
import functools

import jax
import jax.numpy as jnp
import numpy as np
from jax import lax
from jax.experimental import pallas as pl
from jax.experimental.pallas import tpu as pltpu
from jax.experimental.pallas import tpu_sc as plsc

N = 256
B = 1024
OUT = N * (N + 1) // 2
ROUNDS = 32
PSPLIT = 25856
PB = OUT - PSPLIT

_AR, _AC = 144, 256
_BR0, _BR, _BC0, _BC = 136, 120, 128, 128

_NPA = PSPLIT // 32
_NPB = PB // 32
UNROLL = 4

_ROWOFF = np.concatenate([[0], np.cumsum(N - np.arange(N))]).astype(np.int64)


def _build_idx() -> np.ndarray:
    p = np.arange(OUT)
    i = np.searchsorted(_ROWOFF, p, side="right") - 1
    col = i + (p - _ROWOFF[i])
    r = np.where(p < PSPLIT, i, i - _BR0)
    c = np.where(p < PSPLIT, col, col - _BC0)
    u = ((r << 8) | c).astype(np.int64)
    words = []
    for lo, n in ((0, PSPLIT), (PSPLIT, PB)):
        seg = u[lo:lo + n].reshape(-1, 2, 16)
        words.append(seg[:, 0, :] | (seg[:, 1, :] << 16))
    return np.concatenate(words).reshape(-1).astype(np.int32)


_IDX = _build_idx()


@functools.cache
def _get_triu_sc():
    mesh = plsc.VectorSubcoreMesh(core_axis_name="c", subcore_axis_name="s")

    @functools.partial(
        pl.kernel,
        out_type=jax.ShapeDtypeStruct((B, OUT), jnp.float32),
        mesh=mesh,
        scratch_types=[
            pltpu.VMEM((_IDX.size,), jnp.int32),
            pltpu.VMEM((_AR, _AC), jnp.float32),
            pltpu.VMEM((_BR, _BC), jnp.float32),
            pltpu.VMEM((PSPLIT,), jnp.float32),
            pltpu.VMEM_SHARED((2, 8, OUT), jnp.float32),
            pltpu.SemaphoreType.DMA,
            pltpu.SemaphoreType.DMA,
            pltpu.SemaphoreType.DMA,
        ],
        compiler_params=pltpu.CompilerParams(
            use_tc_tiling_on_sc=True, needs_layout_passes=False
        ),
    )
    def _triu_sc(x_hbm, idx_hbm, out_hbm, idx_v, sta, stb, pk, blk,
                 sem_a, sem_b, sem_out):
        c = lax.axis_index("c")
        s = lax.axis_index("s")
        h = s // 8
        m = s % 8
        gbase = (c * 2 + h) * ROUNDS

        def in_a(r):
            return pltpu.make_async_copy(
                x_hbm.at[(gbase + r) * 8 + m, pl.ds(0, _AR), pl.ds(0, _AC)],
                sta, sem_a)

        def in_b(r):
            return pltpu.make_async_copy(
                x_hbm.at[(gbase + r) * 8 + m, pl.ds(_BR0, _BR),
                         pl.ds(_BC0, _BC)],
                stb, sem_b)

        def out_copy(r):
            return pltpu.make_async_copy(
                blk.at[h],
                out_hbm.at[pl.ds((gbase + r) * 8, 8), pl.ds(0, OUT)],
                sem_out)

        pltpu.sync_copy(idx_hbm, idx_v)
        in_a(0).start()
        in_b(0).start()

        def gather(woff, npairs, stref, unroll=UNROLL):
            @plsc.parallel_loop(0, npairs, 1, unroll=unroll)
            def _g(t, woff=woff, stref=stref):
                w = idx_v[pl.ds(woff + t * 16, 16)]
                for half in range(2):
                    v = (jnp.bitwise_and(w, 0xFFFF) if half == 0
                         else lax.shift_right_logical(w, 16))
                    r = lax.shift_right_logical(v, 8)
                    cc = jnp.bitwise_and(v, 255)
                    pk[pl.ds(t * 32 + half * 16, 16)] = (
                        plsc.load_gather(stref, [r, cc]))

        def per_round(r, carry):
            rn = jnp.minimum(r + 1, ROUNDS - 1)
            in_a(r).wait()
            gather(0, _NPA, sta)
            in_a(rn).start()

            @pl.when(jnp.logical_and(m == 0, r >= 1))
            def _wait_prev():
                out_copy(r - 1).wait()

            plsc.subcore_barrier()
            pltpu.sync_copy(pk.at[pl.ds(0, PSPLIT)],
                            blk.at[h, m, pl.ds(0, PSPLIT)])
            in_b(r).wait()
            gather(_NPA * 16, _NPB, stb)
            in_b(rn).start()
            pltpu.sync_copy(pk.at[pl.ds(0, PB)],
                            blk.at[h, m, pl.ds(PSPLIT, PB)])
            plsc.subcore_barrier()

            @pl.when(m == 0)
            def _emit():
                out_copy(r).start()

            return carry

        lax.fori_loop(0, ROUNDS, per_round, 0)

        @pl.when(m == 0)
        def _drain():
            out_copy(ROUNDS - 1).wait()

        in_a(ROUNDS - 1).wait()
        in_b(ROUNDS - 1).wait()

    return _triu_sc


def kernel(inputs):
    idx = jnp.asarray(_IDX)
    return _get_triu_sc()(inputs, idx)

# --- scband reference (transcript-rebuilt; emitter-appended) ---
"""Pipeline reference for scband-triu-2284922602275 (READ-ONLY COPY).

The authoritative reference and input builder live on the scoring server;
editing this copy changes nothing except your own understanding.
"""

import jax, jax.numpy as jnp
import numpy as np

def setup_inputs(seed: int = 0) -> dict:
    key = jax.random.key(seed)
    inputs = jax.random.normal(key, (1024, 256, 256), dtype=jnp.float32)
    return {"inputs": inputs}

def reference(inputs):
    idx = jnp.triu_indices(inputs.shape[-1])
    if len(inputs.shape) > 2:
        y = jax.vmap(lambda mtx: mtx[idx])(inputs)
    else:
        y = inputs[idx]
    return y

if __name__ == "__main__":
    import jax
    _d = setup_inputs()
    print(jax.jit(kernel)(*tuple(_d.values())))

</pallas_src>

<mosaic_0001>
#map = affine_map<(d0, d1) -> (0, 0, 0)>
#map1 = affine_map<(d0, d1) -> (0)>
#map2 = affine_map<(d0, d1) -> (0, 0)>
module attributes {stable_mosaic.version = 14 : i64} {
  func.func @_triu_sc(%arg0: i32, %arg1: i32, %arg2: memref<1024x256x256xf32, #tpu.memory_space<hbm>>, %arg3: memref<16448xi32, #tpu.memory_space<hbm>>, %arg4: memref<1024x32896xf32, #tpu.memory_space<hbm>>, %arg5: memref<16448xi32, #tpu.memory_space<vmem>>, %arg6: memref<144x256xf32, #tpu.memory_space<vmem>>, %arg7: memref<120x128xf32, #tpu.memory_space<vmem>>, %arg8: memref<25856xf32, #tpu.memory_space<vmem>>, %arg9: memref<2x8x32896xf32, #tpu.memory_space<vmem_shared>>, %arg10: memref<!tpu.dma_semaphore, #tpu.memory_space<semaphore_mem>>, %arg11: memref<!tpu.dma_semaphore, #tpu.memory_space<semaphore_mem>>, %arg12: memref<!tpu.dma_semaphore, #tpu.memory_space<semaphore_mem>>) attributes {dimension_semantics = [#tpu.dimension_semantics<core_parallel>, #tpu.dimension_semantics<subcore_parallel>], iteration_bounds = array<i64: 2, 16>, scalar_prefetch = 0 : i64, scratch_operands = 8 : i64, tpu.core_type = #tpu.core_type<sc_vector_subcore>, window_params = [{transform_indices = #map}, {transform_indices = #map1}, {transform_indices = #map2}]} {
    %jit3A = arith.constant 8 : i32
    %div3A = arith.divsi %arg1, %jit3A : i32
    %sign3A = arith.constant 0 : i32
    %sign3A_0 = arith.cmpi sgt, %arg1, %sign3A : i32
    %sign3A_1 = arith.extui %sign3A_0 : i1 to i32
    %sign3A_2 = arith.constant 0 : i32
    %sign3A_3 = arith.cmpi slt, %arg1, %sign3A_2 : i32
    %sign3A_4 = arith.extui %sign3A_3 : i1 to i32
    %sign3A_5 = arith.subi %sign3A_1, %sign3A_4 : i32
    %sign3A_6 = arith.constant 0 : i32
    %sign3A_7 = arith.cmpi sgt, %jit3A, %sign3A_6 : i32
    %sign3A_8 = arith.extui %sign3A_7 : i1 to i32
    %sign3A_9 = arith.constant 0 : i32
    %sign3A_10 = arith.cmpi slt, %jit3A, %sign3A_9 : i32
    %sign3A_11 = arith.extui %sign3A_10 : i1 to i32
    %sign3A_12 = arith.subi %sign3A_8, %sign3A_11 : i32
    %ne3A = arith.cmpi ne, %sign3A_5, %sign3A_12 : i32
    %rem3A = arith.remsi %arg1, %jit3A : i32
    %ne3A_13 = arith.constant 0 : i32
    %ne3A_14 = arith.cmpi ne, %rem3A, %ne3A_13 : i32
    %and3A = arith.andi %ne3A, %ne3A_14 : i1
    %sub3A = arith.constant 1 : i32
    %sub3A_15 = arith.subi %div3A, %sub3A : i32
    %select_n3A = arith.select %and3A, %sub3A_15, %div3A : i32
    %jit3A_16 = arith.constant 8 : i32
    %eq3A = arith.constant 0 : i32
    %eq3A_17 = arith.cmpi eq, %jit3A_16, %eq3A : i32
    %jit3A_18 = arith.constant 1 : i32
    %select_n3A_19 = arith.select %eq3A_17, %jit3A_18, %jit3A_16 : i32
    %rem3A_20 = arith.remsi %arg1, %select_n3A_19 : i32
    %ne3A_21 = arith.constant 0 : i32
    %ne3A_22 = arith.cmpi ne, %rem3A_20, %ne3A_21 : i32
    %lt3A = arith.constant 0 : i32
    %lt3A_23 = arith.cmpi slt, %rem3A_20, %lt3A : i32
    %lt3A_24 = arith.constant 0 : i32
    %lt3A_25 = arith.cmpi slt, %select_n3A_19, %lt3A_24 : i32
    %ne3A_26 = arith.xori %lt3A_23, %lt3A_25 : i1
    %and3A_27 = arith.andi %ne3A_26, %ne3A_22 : i1
    %add3A = arith.addi %rem3A_20, %select_n3A_19 : i32
    %select_n3A_28 = arith.select %and3A_27, %add3A, %rem3A_20 : i32
    %mul3A = arith.constant 2 : i32
    %mul3A_29 = arith.muli %arg0, %mul3A : i32
    %add3A_30 = arith.addi %mul3A_29, %select_n3A : i32
    %mul3A_31 = arith.constant 32 : i32
    %mul3A_32 = arith.muli %add3A_30, %mul3A_31 : i32
    "tpu.region"() ({
      %run_scoped3A = tpu.sem_alloc : memref<!tpu.dma_semaphore, #tpu.memory_space<semaphore_mem>>
      tpu.enqueue_dma source(%arg3 : memref<16448xi32, #tpu.memory_space<hbm>>) target(%arg5 : memref<16448xi32, #tpu.memory_space<vmem>>) target_semaphore(%run_scoped3A : memref<!tpu.dma_semaphore, #tpu.memory_space<semaphore_mem>>)
      tpu.wait_dma2 semaphore(%run_scoped3A : memref<!tpu.dma_semaphore, #tpu.memory_space<semaphore_mem>>) src(%arg3 : memref<16448xi32, #tpu.memory_space<hbm>>) dst(%arg5 : memref<16448xi32, #tpu.memory_space<vmem>>)
      tpu.yield
    }) : () -> ()
    %add3A_33 = arith.constant 0 : i32
    %add3A_34 = arith.addi %mul3A_32, %add3A_33 : i32
    %mul3A_35 = arith.constant 8 : i32
    %mul3A_36 = arith.muli %add3A_34, %mul3A_35 : i32
    %add3A_37 = arith.addi %mul3A_36, %select_n3A_28 : i32
    %dma_start3A = arith.constant 0 : i32
    %dma_start3A_38 = arith.constant 0 : i32
    %dma_start3A_39 = tpu.memref_slice %arg2[%add3A_37, %dma_start3A, %dma_start3A_38] : memref<1024x256x256xf32, #tpu.memory_space<hbm>> -> memref<1x144x256xf32, #tpu.memory_space<hbm>>
    %dma_start3A_40 = tpu.memref_squeeze %dma_start3A_39 : memref<1x144x256xf32, #tpu.memory_space<hbm>> -> memref<144x256xf32, #tpu.memory_space<hbm>>
    %dma_start3A_41 = arith.constant 0 : i32
    %dma_start3A_42 = arith.constant 0 : i32
    %dma_start3A_43 = tpu.memref_slice %arg2[%add3A_37, %dma_start3A_41, %dma_start3A_42] : memref<1024x256x256xf32, #tpu.memory_space<hbm>> -> memref<1x144x256xf32, #tpu.memory_space<hbm>>
    %dma_start3A_44 = tpu.memref_squeeze %dma_start3A_43 : memref<1x144x256xf32, #tpu.memory_space<hbm>> -> memref<144x256xf32, #tpu.memory_space<hbm>>
    tpu.enqueue_dma source(%dma_start3A_44 : memref<144x256xf32, #tpu.memory_space<hbm>>) target(%arg6 : memref<144x256xf32, #tpu.memory_space<vmem>>) target_semaphore(%arg10 : memref<!tpu.dma_semaphore, #tpu.memory_space<semaphore_mem>>)
    %add3A_45 = arith.constant 0 : i32
    %add3A_46 = arith.addi %mul3A_32, %add3A_45 : i32
    %mul3A_47 = arith.constant 8 : i32
    %mul3A_48 = arith.muli %add3A_46, %mul3A_47 : i32
    %add3A_49 = arith.addi %mul3A_48, %select_n3A_28 : i32
    %dma_start3A_50 = arith.constant 136 : i32
    %dma_start3A_51 = arith.constant 128 : i32
    %dma_start3A_52 = tpu.memref_slice %arg2[%add3A_49, %dma_start3A_50, %dma_start3A_51] : memref<1024x256x256xf32, #tpu.memory_space<hbm>> -> memref<1x120x128xf32, #tpu.memory_space<hbm>>
    %dma_start3A_53 = tpu.memref_squeeze %dma_start3A_52 : memref<1x120x128xf32, #tpu.memory_space<hbm>> -> memref<120x128xf32, #tpu.memory_space<hbm>>
    %dma_start3A_54 = arith.constant 136 : i32
    %dma_start3A_55 = arith.constant 128 : i32
    %dma_start3A_56 = tpu.memref_slice %arg2[%add3A_49, %dma_start3A_54, %dma_start3A_55] : memref<1024x256x256xf32, #tpu.memory_space<hbm>> -> memref<1x120x128xf32, #tpu.memory_space<hbm>>
    %dma_start3A_57 = tpu.memref_squeeze %dma_start3A_56 : memref<1x120x128xf32, #tpu.memory_space<hbm>> -> memref<120x128xf32, #tpu.memory_space<hbm>>
    tpu.enqueue_dma source(%dma_start3A_57 : memref<120x128xf32, #tpu.memory_space<hbm>>) target(%arg7 : memref<120x128xf32, #tpu.memory_space<vmem>>) target_semaphore(%arg11 : memref<!tpu.dma_semaphore, #tpu.memory_space<semaphore_mem>>)
    %scan3A = arith.constant 0 : i32
    %scan3A_58 = arith.constant 0 : i32
    %scan3A_59 = arith.constant 32 : i32
    %scan3A_60 = arith.addi %scan3A_58, %scan3A_59 : i32
    %scan3A_61 = arith.constant 1 : i32
    scf.for %scan3A_91 = %scan3A_58 to %scan3A_60 step %scan3A_61  : i32 {
      %add3A_92 = arith.constant 1 : i32
      %add3A_93 = arith.addi %scan3A_91, %add3A_92 : i32
      %min3A = arith.constant 31 : i32
      %min3A_94 = arith.minsi %add3A_93, %min3A : i32
      %add3A_95 = arith.addi %mul3A_32, %scan3A_91 : i32
      %mul3A_96 = arith.constant 8 : i32
      %mul3A_97 = arith.muli %add3A_95, %mul3A_96 : i32
      %add3A_98 = arith.addi %mul3A_97, %select_n3A_28 : i32
      %dma_wait3A_99 = arith.constant 0 : i32
      %dma_wait3A_100 = arith.constant 0 : i32
      %dma_wait3A_101 = tpu.memref_slice %arg2[%add3A_98, %dma_wait3A_99, %dma_wait3A_100] : memref<1024x256x256xf32, #tpu.memory_space<hbm>> -> memref<1x144x256xf32, #tpu.memory_space<hbm>>
      %dma_wait3A_102 = tpu.memref_squeeze %dma_wait3A_101 : memref<1x144x256xf32, #tpu.memory_space<hbm>> -> memref<144x256xf32, #tpu.memory_space<hbm>>
      %dma_wait3A_103 = arith.constant 0 : i32
      %dma_wait3A_104 = arith.constant 0 : i32
      %dma_wait3A_105 = tpu.memref_slice %arg2[%add3A_98, %dma_wait3A_103, %dma_wait3A_104] : memref<1024x256x256xf32, #tpu.memory_space<hbm>> -> memref<1x144x256xf32, #tpu.memory_space<hbm>>
      %dma_wait3A_106 = tpu.memref_squeeze %dma_wait3A_105 : memref<1x144x256xf32, #tpu.memory_space<hbm>> -> memref<144x256xf32, #tpu.memory_space<hbm>>
      tpu.wait_dma2 semaphore(%arg10 : memref<!tpu.dma_semaphore, #tpu.memory_space<semaphore_mem>>) src(%dma_wait3A_106 : memref<144x256xf32, #tpu.memory_space<hbm>>) dst(%arg6 : memref<144x256xf32, #tpu.memory_space<vmem>>)
      %parallel_loop3A = arith.constant 0 : i32
      %parallel_loop3A_107 = arith.constant 808 : i32
      %parallel_loop3A_108 = arith.constant 1 : i32
      scf.for %parallel_loop3A_161 = %parallel_loop3A to %parallel_loop3A_107 step %parallel_loop3A_108  : i32 {
        %parallel_loop3A_162 = arith.constant 16 : i32
        %parallel_loop3A_163 = arith.muli %parallel_loop3A_161, %parallel_loop3A_162 : i32
        %parallel_loop3A_164 = arith.constant 0 : i32
        %parallel_loop3A_165 = arith.addi %parallel_loop3A_164, %parallel_loop3A_163 : i32
        %parallel_loop3A_166 = arith.index_cast %parallel_loop3A_165 : i32 to index
        %parallel_loop3A_167 = tpu.vector_load %arg5[%parallel_loop3A_166] {strides = array<i32>} : memref<16448xi32, #tpu.memory_space<vmem>>, vector<16xi32>,
        %parallel_loop3A_168 = arith.constant 65535 : i32
        %parallel_loop3A_169 = vector.broadcast %parallel_loop3A_168 : i32 to vector<16xi32>
        %parallel_loop3A_170 = arith.andi %parallel_loop3A_167, %parallel_loop3A_169 : vector<16xi32>
        %parallel_loop3A_171 = arith.constant 8 : i32
        %parallel_loop3A_172 = vector.broadcast %parallel_loop3A_171 : i32 to vector<16xi32>
        %parallel_loop3A_173 = arith.shrui %parallel_loop3A_170, %parallel_loop3A_172 : vector<16xi32>
        %parallel_loop3A_174 = arith.constant 255 : i32
        %parallel_loop3A_175 = vector.broadcast %parallel_loop3A_174 : i32 to vector<16xi32>
        %parallel_loop3A_176 = arith.andi %parallel_loop3A_170, %parallel_loop3A_175 : vector<16xi32>
        %parallel_loop3A_177 = tpu.vector_load_idx %arg6[%parallel_loop3A_173, %parallel_loop3A_176] : memref<144x256xf32, #tpu.memory_space<vmem>>[vector<16xi32>, vector<16xi32>], vector<16xf32>,
        %parallel_loop3A_178 = arith.constant 32 : i32
        %parallel_loop3A_179 = arith.muli %parallel_loop3A_161, %parallel_loop3A_178 : i32
        %parallel_loop3A_180 = arith.constant 0 : i32
        %parallel_loop3A_181 = arith.addi %parallel_loop3A_179, %parallel_loop3A_180 : i32
        %parallel_loop3A_182 = arith.index_cast %parallel_loop3A_181 : i32 to index
        %parallel_loop3A_183 = tpu.vector_load %arg8[%parallel_loop3A_182] {strides = array<i32>} : memref<25856xf32, #tpu.memory_space<vmem>>, vector<16xf32>,
        tpu.vector_store %arg8[%parallel_loop3A_182], %parallel_loop3A_177 {strides = array<i32>} : memref<25856xf32, #tpu.memory_space<vmem>>, vector<16xf32>,
        %parallel_loop3A_184 = arith.constant 16 : i32
        %parallel_loop3A_185 = vector.broadcast %parallel_loop3A_184 : i32 to vector<16xi32>
        %parallel_loop3A_186 = arith.shrui %parallel_loop3A_167, %parallel_loop3A_185 : vector<16xi32>
        %parallel_loop3A_187 = arith.constant 8 : i32
        %parallel_loop3A_188 = vector.broadcast %parallel_loop3A_187 : i32 to vector<16xi32>
        %parallel_loop3A_189 = arith.shrui %parallel_loop3A_186, %parallel_loop3A_188 : vector<16xi32>
        %parallel_loop3A_190 = arith.constant 255 : i32
        %parallel_loop3A_191 = vector.broadcast %parallel_loop3A_190 : i32 to vector<16xi32>
        %parallel_loop3A_192 = arith.andi %parallel_loop3A_186, %parallel_loop3A_191 : vector<16xi32>
        %parallel_loop3A_193 = tpu.vector_load_idx %arg6[%parallel_loop3A_189, %parallel_loop3A_192] : memref<144x256xf32, #tpu.memory_space<vmem>>[vector<16xi32>, vector<16xi32>], vector<16xf32>,
        %parallel_loop3A_194 = arith.constant 32 : i32
        %parallel_loop3A_195 = arith.muli %parallel_loop3A_161, %parallel_loop3A_194 : i32
        %parallel_loop3A_196 = arith.constant 16 : i32
        %parallel_loop3A_197 = arith.addi %parallel_loop3A_195, %parallel_loop3A_196 : i32
        %parallel_loop3A_198 = arith.index_cast %parallel_loop3A_197 : i32 to index
        %parallel_loop3A_199 = tpu.vector_load %arg8[%parallel_loop3A_198] {strides = array<i32>} : memref<25856xf32, #tpu.memory_space<vmem>>, vector<16xf32>,
        tpu.vector_store %arg8[%parallel_loop3A_198], %parallel_loop3A_193 {strides = array<i32>} : memref<25856xf32, #tpu.memory_space<vmem>>, vector<16xf32>,
      } {sc.loop_unroll_factor = 4 : i64, sc.parallel_access}
      %add3A_109 = arith.addi %mul3A_32, %min3A_94 : i32
      %mul3A_110 = arith.constant 8 : i32
      %mul3A_111 = arith.muli %add3A_109, %mul3A_110 : i32
      %add3A_112 = arith.addi %mul3A_111, %select_n3A_28 : i32
      %dma_start3A_113 = arith.constant 0 : i32
      %dma_start3A_114 = arith.constant 0 : i32
      %dma_start3A_115 = tpu.memref_slice %arg2[%add3A_112, %dma_start3A_113, %dma_start3A_114] : memref<1024x256x256xf32, #tpu.memory_space<hbm>> -> memref<1x144x256xf32, #tpu.memory_space<hbm>>
      %dma_start3A_116 = tpu.memref_squeeze %dma_start3A_115 : memref<1x144x256xf32, #tpu.memory_space<hbm>> -> memref<144x256xf32, #tpu.memory_space<hbm>>
      %dma_start3A_117 = arith.constant 0 : i32
      %dma_start3A_118 = arith.constant 0 : i32
      %dma_start3A_119 = tpu.memref_slice %arg2[%add3A_112, %dma_start3A_117, %dma_start3A_118] : memref<1024x256x256xf32, #tpu.memory_space<hbm>> -> memref<1x144x256xf32, #tpu.memory_space<hbm>>
      %dma_start3A_120 = tpu.memref_squeeze %dma_start3A_119 : memref<1x144x256xf32, #tpu.memory_space<hbm>> -> memref<144x256xf32, #tpu.memory_space<hbm>>
      tpu.enqueue_dma source(%dma_start3A_120 : memref<144x256xf32, #tpu.memory_space<hbm>>) target(%arg6 : memref<144x256xf32, #tpu.memory_space<vmem>>) target_semaphore(%arg10 : memref<!tpu.dma_semaphore, #tpu.memory_space<semaphore_mem>>)
      %eq3A_121 = arith.constant 0 : i32
      %eq3A_122 = arith.cmpi eq, %select_n3A_28, %eq3A_121 : i32
      %ge3A = arith.constant 1 : i32
      %ge3A_123 = arith.cmpi sge, %scan3A_91, %ge3A : i32
      %and3A_124 = arith.andi %eq3A_122, %ge3A_123 : i1
      %convert_element_type3A_125 = arith.extui %and3A_124 : i1 to i32
      %cond3A_126 = arith.constant 0 : i32
      %cond3A_127 = arith.cmpi ne, %convert_element_type3A_125, %cond3A_126 : i32
      scf.if %cond3A_127 {
        %sub3A_161 = arith.constant 1 : i32
        %sub3A_162 = arith.subi %scan3A_91, %sub3A_161 : i32
        %add3A_163 = arith.addi %mul3A_32, %sub3A_162 : i32
        %mul3A_164 = arith.constant 8 : i32
        %mul3A_165 = arith.muli %add3A_163, %mul3A_164 : i32
        %dma_wait3A_166 = arith.constant 0 : i32
        %dma_wait3A_167 = tpu.memref_slice %arg4[%mul3A_165, %dma_wait3A_166] : memref<1024x32896xf32, #tpu.memory_space<hbm>> -> memref<8x32896xf32, #tpu.memory_space<hbm>>
        %dma_wait3A_168 = arith.constant 0 : i32
        %dma_wait3A_169 = arith.constant 0 : i32
        %dma_wait3A_170 = tpu.memref_slice %arg9[%select_n3A, %dma_wait3A_168, %dma_wait3A_169] : memref<2x8x32896xf32, #tpu.memory_space<vmem_shared>> -> memref<1x8x32896xf32, #tpu.memory_space<vmem_shared>>
        %dma_wait3A_171 = tpu.memref_squeeze %dma_wait3A_170 : memref<1x8x32896xf32, #tpu.memory_space<vmem_shared>> -> memref<8x32896xf32, #tpu.memory_space<vmem_shared>>
        tpu.wait_dma2 semaphore(%arg12 : memref<!tpu.dma_semaphore, #tpu.memory_space<semaphore_mem>>) src(%dma_wait3A_171 : memref<8x32896xf32, #tpu.memory_space<vmem_shared>>) dst(%dma_wait3A_167 : memref<8x32896xf32, #tpu.memory_space<hbm>>)
      } else {
      }
      %barrier3A = arith.constant 0 : index
      tpu.barrier barrier_id(%barrier3A)
      "tpu.region"() ({
        %run_scoped3A = tpu.sem_alloc : memref<!tpu.dma_semaphore, #tpu.memory_space<semaphore_mem>>
        %dma_start3A_161 = arith.constant 0 : i32
        %dma_start3A_162 = tpu.memref_slice %arg8[%dma_start3A_161] : memref<25856xf32, #tpu.memory_space<vmem>> -> memref<25856xf32, #tpu.memory_space<vmem>>
        %dma_start3A_163 = arith.constant 0 : i32
        %dma_start3A_164 = tpu.memref_slice %arg9[%select_n3A, %select_n3A_28, %dma_start3A_163] : memref<2x8x32896xf32, #tpu.memory_space<vmem_shared>> -> memref<1x1x25856xf32, #tpu.memory_space<vmem_shared>>
        %dma_start3A_165 = tpu.memref_squeeze %dma_start3A_164 : memref<1x1x25856xf32, #tpu.memory_space<vmem_shared>> -> memref<25856xf32, #tpu.memory_space<vmem_shared>>
        %dma_start3A_166 = arith.constant 0 : i32
        %dma_start3A_167 = tpu.memref_slice %arg9[%select_n3A, %select_n3A_28, %dma_start3A_166] : memref<2x8x32896xf32, #tpu.memory_space<vmem_shared>> -> memref<1x1x25856xf32, #tpu.memory_space<vmem_shared>>
        %dma_start3A_168 = tpu.memref_squeeze %dma_start3A_167 : memref<1x1x25856xf32, #tpu.memory_space<vmem_shared>> -> memref<25856xf32, #tpu.memory_space<vmem_shared>>
        %dma_start3A_169 = arith.constant 0 : i32
        %dma_start3A_170 = tpu.memref_slice %arg8[%dma_start3A_169] : memref<25856xf32, #tpu.memory_space<vmem>> -> memref<25856xf32, #tpu.memory_space<vmem>>
        tpu.enqueue_dma source(%dma_start3A_170 : memref<25856xf32, #tpu.memory_space<vmem>>) target(%dma_start3A_168 : memref<25856xf32, #tpu.memory_space<vmem_shared>>) target_semaphore(%run_scoped3A : memref<!tpu.dma_semaphore, #tpu.memory_space<semaphore_mem>>)
        %dma_wait3A_171 = arith.constant 0 : i32
        %dma_wait3A_172 = tpu.memref_slice %arg8[%dma_wait3A_171] : memref<25856xf32, #tpu.memory_space<vmem>> -> memref<25856xf32, #tpu.memory_space<vmem>>
        %dma_wait3A_173 = arith.constant 0 : i32
        %dma_wait3A_174 = tpu.memref_slice %arg9[%select_n3A, %select_n3A_28, %dma_wait3A_173] : memref<2x8x32896xf32, #tpu.memory_space<vmem_shared>> -> memref<1x1x25856xf32, #tpu.memory_space<vmem_shared>>
        %dma_wait3A_175 = tpu.memref_squeeze %dma_wait3A_174 : memref<1x1x25856xf32, #tpu.memory_space<vmem_shared>> -> memref<25856xf32, #tpu.memory_space<vmem_shared>>
        %dma_wait3A_176 = arith.constant 0 : i32
        %dma_wait3A_177 = tpu.memref_slice %arg9[%select_n3A, %select_n3A_28, %dma_wait3A_176] : memref<2x8x32896xf32, #tpu.memory_space<vmem_shared>> -> memref<1x1x25856xf32, #tpu.memory_space<vmem_shared>>
        %dma_wait3A_178 = tpu.memref_squeeze %dma_wait3A_177 : memref<1x1x25856xf32, #tpu.memory_space<vmem_shared>> -> memref<25856xf32, #tpu.memory_space<vmem_shared>>
        %dma_wait3A_179 = arith.constant 0 : i32
        %dma_wait3A_180 = tpu.memref_slice %arg8[%dma_wait3A_179] : memref<25856xf32, #tpu.memory_space<vmem>> -> memref<25856xf32, #tpu.memory_space<vmem>>
        tpu.wait_dma2 semaphore(%run_scoped3A : memref<!tpu.dma_semaphore, #tpu.memory_space<semaphore_mem>>) src(%dma_wait3A_180 : memref<25856xf32, #tpu.memory_space<vmem>>) dst(%dma_wait3A_178 : memref<25856xf32, #tpu.memory_space<vmem_shared>>)
        tpu.yield
      }) : () -> ()
      %add3A_128 = arith.addi %mul3A_32, %scan3A_91 : i32
      %mul3A_129 = arith.constant 8 : i32
      %mul3A_130 = arith.muli %add3A_128, %mul3A_129 : i32
      %add3A_131 = arith.addi %mul3A_130, %select_n3A_28 : i32
      %dma_wait3A_132 = arith.constant 136 : i32
      %dma_wait3A_133 = arith.constant 128 : i32
      %dma_wait3A_134 = tpu.memref_slice %arg2[%add3A_131, %dma_wait3A_132, %dma_wait3A_133] : memref<1024x256x256xf32, #tpu.memory_space<hbm>> -> memref<1x120x128xf32, #tpu.memory_space<hbm>>
      %dma_wait3A_135 = tpu.memref_squeeze %dma_wait3A_134 : memref<1x120x128xf32, #tpu.memory_space<hbm>> -> memref<120x128xf32, #tpu.memory_space<hbm>>
      %dma_wait3A_136 = arith.constant 136 : i32
      %dma_wait3A_137 = arith.constant 128 : i32
      %dma_wait3A_138 = tpu.memref_slice %arg2[%add3A_131, %dma_wait3A_136, %dma_wait3A_137] : memref<1024x256x256xf32, #tpu.memory_space<hbm>> -> memref<1x120x128xf32, #tpu.memory_space<hbm>>
      %dma_wait3A_139 = tpu.memref_squeeze %dma_wait3A_138 : memref<1x120x128xf32, #tpu.memory_space<hbm>> -> memref<120x128xf32, #tpu.memory_space<hbm>>
      tpu.wait_dma2 semaphore(%arg11 : memref<!tpu.dma_semaphore, #tpu.memory_space<semaphore_mem>>) src(%dma_wait3A_139 : memref<120x128xf32, #tpu.memory_space<hbm>>) dst(%arg7 : memref<120x128xf32, #tpu.memory_space<vmem>>)
      %parallel_loop3A_140 = arith.constant 0 : i32
      %parallel_loop3A_141 = arith.constant 220 : i32
      %parallel_loop3A_142 = arith.constant 1 : i32
      scf.for %parallel_loop3A_161 = %parallel_loop3A_140 to %parallel_loop3A_141 step %parallel_loop3A_142  : i32 {
        %parallel_loop3A_162 = arith.constant 16 : i32
        %parallel_loop3A_163 = arith.muli %parallel_loop3A_161, %parallel_loop3A_162 : i32
        %parallel_loop3A_164 = arith.constant 12928 : i32
        %parallel_loop3A_165 = arith.addi %parallel_loop3A_164, %parallel_loop3A_163 : i32
        %parallel_loop3A_166 = arith.index_cast %parallel_loop3A_165 : i32 to index
        %parallel_loop3A_167 = tpu.vector_load %arg5[%parallel_loop3A_166] {strides = array<i32>} : memref<16448xi32, #tpu.memory_space<vmem>>, vector<16xi32>,
        %parallel_loop3A_168 = arith.constant 65535 : i32
        %parallel_loop3A_169 = vector.broadcast %parallel_loop3A_168 : i32 to vector<16xi32>
        %parallel_loop3A_170 = arith.andi %parallel_loop3A_167, %parallel_loop3A_169 : vector<16xi32>
        %parallel_loop3A_171 = arith.constant 8 : i32
        %parallel_loop3A_172 = vector.broadcast %parallel_loop3A_171 : i32 to vector<16xi32>
        %parallel_loop3A_173 = arith.shrui %parallel_loop3A_170, %parallel_loop3A_172 : vector<16xi32>
        %parallel_loop3A_174 = arith.constant 255 : i32
        %parallel_loop3A_175 = vector.broadcast %parallel_loop3A_174 : i32 to vector<16xi32>
        %parallel_loop3A_176 = arith.andi %parallel_loop3A_170, %parallel_loop3A_175 : vector<16xi32>
        %parallel_loop3A_177 = tpu.vector_load_idx %arg7[%parallel_loop3A_173, %parallel_loop3A_176] : memref<120x128xf32, #tpu.memory_space<vmem>>[vector<16xi32>, vector<16xi32>], vector<16xf32>,
        %parallel_loop3A_178 = arith.constant 32 : i32
        %parallel_loop3A_179 = arith.muli %parallel_loop3A_161, %parallel_loop3A_178 : i32
        %parallel_loop3A_180 = arith.constant 0 : i32
        %parallel_loop3A_181 = arith.addi %parallel_loop3A_179, %parallel_loop3A_180 : i32
        %parallel_loop3A_182 = arith.index_cast %parallel_loop3A_181 : i32 to index
        %parallel_loop3A_183 = tpu.vector_load %arg8[%parallel_loop3A_182] {strides = array<i32>} : memref<25856xf32, #tpu.memory_space<vmem>>, vector<16xf32>,
        tpu.vector_store %arg8[%parallel_loop3A_182], %parallel_loop3A_177 {strides = array<i32>} : memref<25856xf32, #tpu.memory_space<vmem>>, vector<16xf32>,
        %parallel_loop3A_184 = arith.constant 16 : i32
        %parallel_loop3A_185 = vector.broadcast %parallel_loop3A_184 : i32 to vector<16xi32>
        %parallel_loop3A_186 = arith.shrui %parallel_loop3A_167, %parallel_loop3A_185 : vector<16xi32>
        %parallel_loop3A_187 = arith.constant 8 : i32
        %parallel_loop3A_188 = vector.broadcast %parallel_loop3A_187 : i32 to vector<16xi32>
        %parallel_loop3A_189 = arith.shrui %parallel_loop3A_186, %parallel_loop3A_188 : vector<16xi32>
        %parallel_loop3A_190 = arith.constant 255 : i32
        %parallel_loop3A_191 = vector.broadcast %parallel_loop3A_190 : i32 to vector<16xi32>
        %parallel_loop3A_192 = arith.andi %parallel_loop3A_186, %parallel_loop3A_191 : vector<16xi32>
        %parallel_loop3A_193 = tpu.vector_load_idx %arg7[%parallel_loop3A_189, %parallel_loop3A_192] : memref<120x128xf32, #tpu.memory_space<vmem>>[vector<16xi32>, vector<16xi32>], vector<16xf32>,
        %parallel_loop3A_194 = arith.constant 32 : i32
        %parallel_loop3A_195 = arith.muli %parallel_loop3A_161, %parallel_loop3A_194 : i32
        %parallel_loop3A_196 = arith.constant 16 : i32
        %parallel_loop3A_197 = arith.addi %parallel_loop3A_195, %parallel_loop3A_196 : i32
        %parallel_loop3A_198 = arith.index_cast %parallel_loop3A_197 : i32 to index
        %parallel_loop3A_199 = tpu.vector_load %arg8[%parallel_loop3A_198] {strides = array<i32>} : memref<25856xf32, #tpu.memory_space<vmem>>, vector<16xf32>,
        tpu.vector_store %arg8[%parallel_loop3A_198], %parallel_loop3A_193 {strides = array<i32>} : memref<25856xf32, #tpu.memory_space<vmem>>, vector<16xf32>,
      } {sc.loop_unroll_factor = 4 : i64, sc.parallel_access}
      %add3A_143 = arith.addi %mul3A_32, %min3A_94 : i32
      %mul3A_144 = arith.constant 8 : i32
      %mul3A_145 = arith.muli %add3A_143, %mul3A_144 : i32
      %add3A_146 = arith.addi %mul3A_145, %select_n3A_28 : i32
      %dma_start3A_147 = arith.constant 136 : i32
      %dma_start3A_148 = arith.constant 128 : i32
      %dma_start3A_149 = tpu.memref_slice %arg2[%add3A_146, %dma_start3A_147, %dma_start3A_148] : memref<1024x256x256xf32, #tpu.memory_space<hbm>> -> memref<1x120x128xf32, #tpu.memory_space<hbm>>
      %dma_start3A_150 = tpu.memref_squeeze %dma_start3A_149 : memref<1x120x128xf32, #tpu.memory_space<hbm>> -> memref<120x128xf32, #tpu.memory_space<hbm>>
      %dma_start3A_151 = arith.constant 136 : i32
      %dma_start3A_152 = arith.constant 128 : i32
      %dma_start3A_153 = tpu.memref_slice %arg2[%add3A_146, %dma_start3A_151, %dma_start3A_152] : memref<1024x256x256xf32, #tpu.memory_space<hbm>> -> memref<1x120x128xf32, #tpu.memory_space<hbm>>
      %dma_start3A_154 = tpu.memref_squeeze %dma_start3A_153 : memref<1x120x128xf32, #tpu.memory_space<hbm>> -> memref<120x128xf32, #tpu.memory_space<hbm>>
      tpu.enqueue_dma source(%dma_start3A_154 : memref<120x128xf32, #tpu.memory_space<hbm>>) target(%arg7 : memref<120x128xf32, #tpu.memory_space<vmem>>) target_semaphore(%arg11 : memref<!tpu.dma_semaphore, #tpu.memory_space<semaphore_mem>>)
      "tpu.region"() ({
        %run_scoped3A = tpu.sem_alloc : memref<!tpu.dma_semaphore, #tpu.memory_space<semaphore_mem>>
        %dma_start3A_161 = arith.constant 0 : i32
        %dma_start3A_162 = tpu.memref_slice %arg8[%dma_start3A_161] : memref<25856xf32, #tpu.memory_space<vmem>> -> memref<7040xf32, #tpu.memory_space<vmem>>
        %dma_start3A_163 = arith.constant 25856 : i32
        %dma_start3A_164 = tpu.memref_slice %arg9[%select_n3A, %select_n3A_28, %dma_start3A_163] : memref<2x8x32896xf32, #tpu.memory_space<vmem_shared>> -> memref<1x1x7040xf32, #tpu.memory_space<vmem_shared>>
        %dma_start3A_165 = tpu.memref_squeeze %dma_start3A_164 : memref<1x1x7040xf32, #tpu.memory_space<vmem_shared>> -> memref<7040xf32, #tpu.memory_space<vmem_shared>>
        %dma_start3A_166 = arith.constant 25856 : i32
        %dma_start3A_167 = tpu.memref_slice %arg9[%select_n3A, %select_n3A_28, %dma_start3A_166] : memref<2x8x32896xf32, #tpu.memory_space<vmem_shared>> -> memref<1x1x7040xf32, #tpu.memory_space<vmem_shared>>
        %dma_start3A_168 = tpu.memref_squeeze %dma_start3A_167 : memref<1x1x7040xf32, #tpu.memory_space<vmem_shared>> -> memref<7040xf32, #tpu.memory_space<vmem_shared>>
        %dma_start3A_169 = arith.constant 0 : i32
        %dma_start3A_170 = tpu.memref_slice %arg8[%dma_start3A_169] : memref<25856xf32, #tpu.memory_space<vmem>> -> memref<7040xf32, #tpu.memory_space<vmem>>
        tpu.enqueue_dma source(%dma_start3A_170 : memref<7040xf32, #tpu.memory_space<vmem>>) target(%dma_start3A_168 : memref<7040xf32, #tpu.memory_space<vmem_shared>>) target_semaphore(%run_scoped3A : memref<!tpu.dma_semaphore, #tpu.memory_space<semaphore_mem>>)
        %dma_wait3A_171 = arith.constant 0 : i32
        %dma_wait3A_172 = tpu.memref_slice %arg8[%dma_wait3A_171] : memref<25856xf32, #tpu.memory_space<vmem>> -> memref<7040xf32, #tpu.memory_space<vmem>>
        %dma_wait3A_173 = arith.constant 25856 : i32
        %dma_wait3A_174 = tpu.memref_slice %arg9[%select_n3A, %select_n3A_28, %dma_wait3A_173] : memref<2x8x32896xf32, #tpu.memory_space<vmem_shared>> -> memref<1x1x7040xf32, #tpu.memory_space<vmem_shared>>
        %dma_wait3A_175 = tpu.memref_squeeze %dma_wait3A_174 : memref<1x1x7040xf32, #tpu.memory_space<vmem_shared>> -> memref<7040xf32, #tpu.memory_space<vmem_shared>>
        %dma_wait3A_176 = arith.constant 25856 : i32
        %dma_wait3A_177 = tpu.memref_slice %arg9[%select_n3A, %select_n3A_28, %dma_wait3A_176] : memref<2x8x32896xf32, #tpu.memory_space<vmem_shared>> -> memref<1x1x7040xf32, #tpu.memory_space<vmem_shared>>
        %dma_wait3A_178 = tpu.memref_squeeze %dma_wait3A_177 : memref<1x1x7040xf32, #tpu.memory_space<vmem_shared>> -> memref<7040xf32, #tpu.memory_space<vmem_shared>>
        %dma_wait3A_179 = arith.constant 0 : i32
        %dma_wait3A_180 = tpu.memref_slice %arg8[%dma_wait3A_179] : memref<25856xf32, #tpu.memory_space<vmem>> -> memref<7040xf32, #tpu.memory_space<vmem>>
        tpu.wait_dma2 semaphore(%run_scoped3A : memref<!tpu.dma_semaphore, #tpu.memory_space<semaphore_mem>>) src(%dma_wait3A_180 : memref<7040xf32, #tpu.memory_space<vmem>>) dst(%dma_wait3A_178 : memref<7040xf32, #tpu.memory_space<vmem_shared>>)
        tpu.yield
      }) : () -> ()
      %barrier3A_155 = arith.constant 0 : index
      tpu.barrier barrier_id(%barrier3A_155)
      %eq3A_156 = arith.constant 0 : i32
      %eq3A_157 = arith.cmpi eq, %select_n3A_28, %eq3A_156 : i32
      %convert_element_type3A_158 = arith.extui %eq3A_157 : i1 to i32
      %cond3A_159 = arith.constant 0 : i32
      %cond3A_160 = arith.cmpi ne, %convert_element_type3A_158, %cond3A_159 : i32
      scf.if %cond3A_160 {
        %add3A_161 = arith.addi %mul3A_32, %scan3A_91 : i32
        %mul3A_162 = arith.constant 8 : i32
        %mul3A_163 = arith.muli %add3A_161, %mul3A_162 : i32
        %dma_start3A_164 = arith.constant 0 : i32
        %dma_start3A_165 = tpu.memref_slice %arg4[%mul3A_163, %dma_start3A_164] : memref<1024x32896xf32, #tpu.memory_space<hbm>> -> memref<8x32896xf32, #tpu.memory_space<hbm>>
        %dma_start3A_166 = arith.constant 0 : i32
        %dma_start3A_167 = arith.constant 0 : i32
        %dma_start3A_168 = tpu.memref_slice %arg9[%select_n3A, %dma_start3A_166, %dma_start3A_167] : memref<2x8x32896xf32, #tpu.memory_space<vmem_shared>> -> memref<1x8x32896xf32, #tpu.memory_space<vmem_shared>>
        %dma_start3A_169 = tpu.memref_squeeze %dma_start3A_168 : memref<1x8x32896xf32, #tpu.memory_space<vmem_shared>> -> memref<8x32896xf32, #tpu.memory_space<vmem_shared>>
        tpu.enqueue_dma source(%dma_start3A_169 : memref<8x32896xf32, #tpu.memory_space<vmem_shared>>) target(%dma_start3A_165 : memref<8x32896xf32, #tpu.memory_space<hbm>>) target_semaphore(%arg12 : memref<!tpu.dma_semaphore, #tpu.memory_space<semaphore_mem>>)
      } else {
      }
    }
    %scan3A_62 = arith.constant 32 : i32
    %eq3A_63 = arith.constant 0 : i32
    %eq3A_64 = arith.cmpi eq, %select_n3A_28, %eq3A_63 : i32
    %convert_element_type3A = arith.extui %eq3A_64 : i1 to i32
    %cond3A = arith.constant 0 : i32
    %cond3A_65 = arith.cmpi ne, %convert_element_type3A, %cond3A : i32
    scf.if %cond3A_65 {
      %add3A_91 = arith.constant 31 : i32
      %add3A_92 = arith.addi %mul3A_32, %add3A_91 : i32
      %mul3A_93 = arith.constant 8 : i32
      %mul3A_94 = arith.muli %add3A_92, %mul3A_93 : i32
      %dma_wait3A_95 = arith.constant 0 : i32
      %dma_wait3A_96 = tpu.memref_slice %arg4[%mul3A_94, %dma_wait3A_95] : memref<1024x32896xf32, #tpu.memory_space<hbm>> -> memref<8x32896xf32, #tpu.memory_space<hbm>>
      %dma_wait3A_97 = arith.constant 0 : i32
      %dma_wait3A_98 = arith.constant 0 : i32
      %dma_wait3A_99 = tpu.memref_slice %arg9[%select_n3A, %dma_wait3A_97, %dma_wait3A_98] : memref<2x8x32896xf32, #tpu.memory_space<vmem_shared>> -> memref<1x8x32896xf32, #tpu.memory_space<vmem_shared>>
      %dma_wait3A_100 = tpu.memref_squeeze %dma_wait3A_99 : memref<1x8x32896xf32, #tpu.memory_space<vmem_shared>> -> memref<8x32896xf32, #tpu.memory_space<vmem_shared>>
      tpu.wait_dma2 semaphore(%arg12 : memref<!tpu.dma_semaphore, #tpu.memory_space<semaphore_mem>>) src(%dma_wait3A_100 : memref<8x32896xf32, #tpu.memory_space<vmem_shared>>) dst(%dma_wait3A_96 : memref<8x32896xf32, #tpu.memory_space<hbm>>)
    } else {
    }
    %add3A_66 = arith.constant 31 : i32
    %add3A_67 = arith.addi %mul3A_32, %add3A_66 : i32
    %mul3A_68 = arith.constant 8 : i32
    %mul3A_69 = arith.muli %add3A_67, %mul3A_68 : i32
    %add3A_70 = arith.addi %mul3A_69, %select_n3A_28 : i32
    %dma_wait3A = arith.constant 0 : i32
    %dma_wait3A_71 = arith.constant 0 : i32
    %dma_wait3A_72 = tpu.memref_slice %arg2[%add3A_70, %dma_wait3A, %dma_wait3A_71] : memref<1024x256x256xf32, #tpu.memory_space<hbm>> -> memref<1x144x256xf32, #tpu.memory_space<hbm>>
    %dma_wait3A_73 = tpu.memref_squeeze %dma_wait3A_72 : memref<1x144x256xf32, #tpu.memory_space<hbm>> -> memref<144x256xf32, #tpu.memory_space<hbm>>
    %dma_wait3A_74 = arith.constant 0 : i32
    %dma_wait3A_75 = arith.constant 0 : i32
    %dma_wait3A_76 = tpu.memref_slice %arg2[%add3A_70, %dma_wait3A_74, %dma_wait3A_75] : memref<1024x256x256xf32, #tpu.memory_space<hbm>> -> memref<1x144x256xf32, #tpu.memory_space<hbm>>
    %dma_wait3A_77 = tpu.memref_squeeze %dma_wait3A_76 : memref<1x144x256xf32, #tpu.memory_space<hbm>> -> memref<144x256xf32, #tpu.memory_space<hbm>>
    tpu.wait_dma2 semaphore(%arg10 : memref<!tpu.dma_semaphore, #tpu.memory_space<semaphore_mem>>) src(%dma_wait3A_77 : memref<144x256xf32, #tpu.memory_space<hbm>>) dst(%arg6 : memref<144x256xf32, #tpu.memory_space<vmem>>)
    %add3A_78 = arith.constant 31 : i32
    %add3A_79 = arith.addi %mul3A_32, %add3A_78 : i32
    %mul3A_80 = arith.constant 8 : i32
    %mul3A_81 = arith.muli %add3A_79, %mul3A_80 : i32
    %add3A_82 = arith.addi %mul3A_81, %select_n3A_28 : i32
    %dma_wait3A_83 = arith.constant 136 : i32
    %dma_wait3A_84 = arith.constant 128 : i32
    %dma_wait3A_85 = tpu.memref_slice %arg2[%add3A_82, %dma_wait3A_83, %dma_wait3A_84] : memref<1024x256x256xf32, #tpu.memory_space<hbm>> -> memref<1x120x128xf32, #tpu.memory_space<hbm>>
    %dma_wait3A_86 = tpu.memref_squeeze %dma_wait3A_85 : memref<1x120x128xf32, #tpu.memory_space<hbm>> -> memref<120x128xf32, #tpu.memory_space<hbm>>
    %dma_wait3A_87 = arith.constant 136 : i32
    %dma_wait3A_88 = arith.constant 128 : i32
    %dma_wait3A_89 = tpu.memref_slice %arg2[%add3A_82, %dma_wait3A_87, %dma_wait3A_88] : memref<1024x256x256xf32, #tpu.memory_space<hbm>> -> memref<1x120x128xf32, #tpu.memory_space<hbm>>
    %dma_wait3A_90 = tpu.memref_squeeze %dma_wait3A_89 : memref<1x120x128xf32, #tpu.memory_space<hbm>> -> memref<120x128xf32, #tpu.memory_space<hbm>>
    tpu.wait_dma2 semaphore(%arg11 : memref<!tpu.dma_semaphore, #tpu.memory_space<semaphore_mem>>) src(%dma_wait3A_90 : memref<120x128xf32, #tpu.memory_space<hbm>>) dst(%arg7 : memref<120x128xf32, #tpu.memory_space<vmem>>)
    return
  }
}

</mosaic_0001>

<sc_bundles>
// kernel: kernel.3.cloned.1.call-start
scs
__scs_entry_jumppad:
0x0: {  	(pc) =	sbr.rel $0x88, $3  }
0x1: {  	(tag) =	ssettag $0x0;
	lr =	simm.s32 $0x1  }
0x2: {  	[smem:$0x3FA0] =	sst lr;
	_ =	strace $0xD0000000  }
0x3: {  	_ = 	snop  }
0x4: {  	_ = 	snop  }
0x5: {  	_ = 	snop  }
0x6: {  	_ = 	snop  }
0x7: {  	_ = 	snop  }
__scs_overlays_trampoline_lowered:
0x8: {  	[smem:$0x3FAF] =	sst s0  }
0x9: {  	[smem:$0x3FB0] =	sst s1  }
0xa: {  	[smem:$0x3FB1] =	sst s2  }
0xb: {  	[smem:$0x3FB2] =	sst s3  }
0xc: {  	[smem:$0x3FB3] =	sst s4  }
0xd: {  	[smem:$0x3FB4] =	sst s5  }
0xe: {  	[smem:$0x3FB5] =	sst s6  }
0xf: {  	[smem:$0x3FB6] =	sst s7  }
0x10: {  	[smem:$0x3FB7] =	sst s8  }
0x11: {  	[smem:$0x3FB8] =	sst s9;
	s0 =	simm.s32 @!p0 $0x0  }
0x12: {  	s1 =	sld [smem:$0x3F9E];
	s0 =	simm.s32 @p0 $0x1  }
0x13: {  	[smem:$0x3FB9] =	sst s0;
	s0 =	simm.s32 @!p1 $0x0  }
0x14: {  	s2 =	sld [smem:$0x3F9D];
	s0 =	simm.s32 @p1 $0x1  }
0x15: {  	[smem:$0x3FBA] =	sst s0;
	s0 =	simm.s32 @!p2 $0x0  }
0x16: {  	s3 =	sld [smem:$0x3FDB];
	s0 =	simm.s32 @p2 $0x1  }
0x17: {  	s4 =	simm.s32 $0x1BF5;
	[smem:$0x3FBC] =	sst s0  }
0x18: {  	s0 =	sld [smem:$0x3F9F];
	_ =	swait.ge [sflag:s4], $0x0  }
0x19: {  	s7 =	sld [smem:$0x3FA0]  }
0x1a: {  	s8 =	sadd.s32 $0xFFFFE003, lr  }
0x1b: {  	s9 =	sadd.s32 $0xFFFFFEF7, lr;
	s5 =	simm.s32 $0xFFFFFFFF;
	p2 =	slt.u32 s8, $0xFFFFF086  }
0x1c: {  	p1 =	slt.u32 s9, $0xF7A;
	s5 =	simm.s32 @!p2 $0x0  }
0x1d: {  	s5 =	simm.s32 @p1 $0x1;
	p0 =	seq.s32 s7, s2  }
0x1e: {  	s7 =	smul.u32 @!p0 $0xF7A, s2;
	p2 =	seq.s32 @!p0 s5, $0x0  }
0x1f: {  	s9 =	smul.u32 $0xF7A, s1;
	s8 =	simm.s32 @!p0 $0x1BF5;
	p2 =	por !p2, p0  }
0x20: {  	[sflag:s8] =	ssyncset.s32 @!p0 $0xFFFFF086;
	s6 =	sadd.s32 @!p0 s3, s7;
	s7 =	simm.s32 @!p0 $0x108  }
0x21: {  	s3 =	sadd.s32 s3, s9;
	s6 =	sadd.s32 @!p0 $0x88, s6;
	s7 =	simm.s32 @p2 $0x1082  }
0x22: {  	[simem:s7], [sflag:s8] =	dma.local @!p0 [hbm:s6], $0xF7A  }
0x23: {  	s9 =	sor.u32 $0xD0000000, s2;
	s6 =	simm.s32 $0x108;
	_ =	swait.ge @!p0 [sflag:s8], $0x0  }
0x24: {  	s3 =	sadd.s32 $0x88, s3;
	s6 =	simm.s32 @!p1 $0x1082;
	[sflag:s4] =	ssyncset.s32 $0xFFFFF086  }
0x25: {  	[simem:s6], [sflag:s4] =	dma.local [hbm:s3], $0xF7A  }
0x26: {  	[smem:$0x3FA0] =	sst s1;
	(tag) =	ssettag s2;
	_ =	strace s9  }
0x27: {  	s1 =	sld [smem:$0x3FB0]  }
0x28: {  	s2 =	sld [smem:$0x3FB1]  }
0x29: {  	s4 =	sld [smem:$0x3FB3]  }
0x2a: {  	p0 =	seq.s32 s5, $0x0;
	s5 =	sld [smem:$0x3FB4]  }
0x2b: {  	s6 =	sld [smem:$0x3FB5]  }
0x2c: {  	s7 =	sld [smem:$0x3FB6]  }
0x2d: {  	s3 =	simm.s32 $0x108;
	s8 =	sld [smem:$0x3FB7]  }
0x2e: {  	s3 =	simm.s32 @!p0 $0x1082;
	s9 =	sld [smem:$0x3FB8]  }
0x2f: {  	lr =	sadd.s32 s0, s3;
	s0 =	sld [smem:$0x3FAF]  }
0x30: {  	s3 =	sld [smem:$0x3FB2]  }
0x31: {  	[smem:$0x3FBB] =	sst s10  }
0x32: {  	s10 =	sld [smem:$0x3FB9];
	_ =	sdelay $0x3  }
0x33: {  	p0 =	seq.s32 s10, $0x1;
	s10 =	sld [smem:$0x3FBB];
	_ =	sdelay $0x3  }
0x34: {  	[smem:$0x3FBB] =	sst s10  }
0x35: {  	s10 =	sld [smem:$0x3FBA];
	_ =	sdelay $0x3  }
0x36: {  	p1 =	seq.s32 s10, $0x1;
	s10 =	sld [smem:$0x3FBB];
	_ =	sdelay $0x3  }
0x37: {  	[smem:$0x3FBB] =	sst s10  }
0x38: {  	s10 =	sld [smem:$0x3FBC]  }
0x39: {  	_ = 	snop;
	(pc) =	sbr.ind lr, $3  }
0x3a: {  	_ = 	snop  }
0x3b: {  	_ = 	snop  }
0x3c: {  	p2 =	seq.s32 s10, $0x1;
	s10 =	sld [smem:$0x3FBB]  }
0x3d: {  	_ =	shalt  }
0x3e: {  	_ =	shalt  }
0x3f: {  	_ =	shalt  }
0x40: {  	_ =	shalt  }
0x41: {  	_ =	shalt  }
0x42: {  	_ =	shalt  }
0x43: {  	_ =	shalt  }
0x44: {  	_ =	shalt  }
0x45: {  	_ =	shalt  }
0x46: {  	_ =	shalt  }
0x47: {  	_ =	shalt  }
0x48: {  	_ =	shalt  }
0x49: {  	_ =	shalt  }
0x4a: {  	_ =	shalt  }
0x4b: {  	_ =	shalt  }
0x4c: {  	_ =	shalt  }
0x4d: {  	_ =	shalt  }
0x4e: {  	_ =	shalt  }
0x4f: {  	_ =	shalt  }
0x50: {  	_ =	shalt  }
0x51: {  	_ =	shalt  }
0x52: {  	_ =	shalt  }
0x53: {  	_ =	shalt  }
0x54: {  	_ =	shalt  }
0x55: {  	_ =	shalt  }
0x56: {  	_ =	shalt  }
0x57: {  	_ =	shalt  }
0x58: {  	_ =	shalt  }
0x59: {  	_ =	shalt  }
0x5a: {  	_ =	shalt  }
0x5b: {  	_ =	shalt  }
0x5c: {  	_ =	shalt  }
0x5d: {  	_ =	shalt  }
0x5e: {  	_ =	shalt  }
0x5f: {  	_ =	shalt  }
0x60: {  	_ =	shalt  }
0x61: {  	_ =	shalt  }
0x62: {  	_ =	shalt  }
0x63: {  	_ =	shalt  }
0x64: {  	_ =	shalt  }
0x65: {  	_ =	shalt  }
0x66: {  	_ =	shalt  }
0x67: {  	_ =	shalt  }
0x68: {  	_ =	shalt  }
0x69: {  	_ =	shalt  }
0x6a: {  	_ =	shalt  }
0x6b: {  	_ =	shalt  }
0x6c: {  	_ =	shalt  }
0x6d: {  	_ =	shalt  }
0x6e: {  	_ =	shalt  }
0x6f: {  	_ =	shalt  }
0x70: {  	_ =	shalt  }
0x71: {  	_ =	shalt  }
0x72: {  	_ =	shalt  }
0x73: {  	_ =	shalt  }
0x74: {  	_ =	shalt  }
0x75: {  	_ =	shalt  }
0x76: {  	_ =	shalt  }
0x77: {  	_ =	shalt  }
0x78: {  	_ =	shalt  }
0x79: {  	_ =	shalt  }
0x7a: {  	_ =	shalt  }
0x7b: {  	_ =	shalt  }
0x7c: {  	_ =	shalt  }
0x7d: {  	_ =	shalt  }
0x7e: {  	_ =	shalt  }
0x7f: {  	_ =	shalt  }
0x80: {  	_ =	shalt  }
0x81: {  	_ =	shalt  }
0x82: {  	_ =	shalt  }
0x83: {  	_ =	shalt  }
0x84: {  	_ =	shalt  }
0x85: {  	_ =	shalt  }
0x86: {  	_ =	shalt  }
0x87: {  	_ =	shalt  }
.Lfunc_end0:
.L_simem_size_0:
called_computation_lowered:
.L_overlay_start_0:
0x88: {  	s2 =	sld [smem:$0x3FD9]  }
0x89: {  	s3 =	sld [smem:$0x3FFE];
	_ =	sdelay $0x1  }
0x8a: {  	s1 =	srdreg.scid  }
0x8b: {  	s0 =	sand.u32 $0x1, s1  }
0x8c: {  	s17 =	sshll.u32 s0, $0xA;
	s2 =	sadd.s32 s3, s2  }
0x8d: {  	s2 =	sadd.s32 s2, s17  }
0x8e: {  	[smem:$0x3FC7] =	sst s2  }
0x8f: {  	_ = 	snop  }
0x90: {  	s2 =	sld [smem:$0x3FC9]  }
0x91: {  	s18 =	sld [smem:$0x3FD0];
	(tm) =	ssettm $0x1  }
0x92: {  	s4 =	sld [smem:$0x3FFB];
	_ =	sdelay $0x3  }
0x93: {  	_ =	strace s4  }
0x94: {  	s4 =	sld [smem:$0x3FFC];
	_ =	sdelay $0x3  }
0x95: {  	_ =	strace s4  }
0x96: {  	s4 =	sld [smem:$0x3FFD];
	_ =	sdelay $0x3  }
0x97: {  	_ =	strace s4  }
0x98: {  	_ =	strace $0x8FFFFFFF  }
0x99: {  	s19 =	sld [smem:$0x3FDB];
	_ =	sdelay $0x1  }
0x9a: {  	s5 =	simm.s32 $_scs_section_size  }
0x9b: {  	s6 =	simm.s32 $_size__tile_overlayer_lowered;
	s7 =	simm.s32 $_tile_overlayer_lowered  }
0x9c: {  	s22 =	simm.s32 $0x1BFF;
	s21 =	sshll.u32 s7, $0x1;
	s4 =	sadd.s32 s5, s19  }
0x9d: {  	s8 =	simm.s32 $0x0;
	s20 =	sshll.u32 s6, $0x1;
	s6 =	sadd.s32 s21, s4  }
0x9e: {  	[timem:s8], [sflag:s22] =	dma.local [hbm:s6], s20  }
0x9f: {  	_ =	swait.ge [sflag:s22], s20  }
0xa0: {  	s5 =	ssub.s32 $0x0, s20;
	[sflag:s22] =	ssyncset.done $0x0  }
0xa1: {  	[sflag:s22] =	ssyncadd.s32 s5;
	_ =	sdelay $0x1  }
0xa2: {  	s23 =	simm.s32 $0x1B8B  }
0xa3: {  	_ =	swait.ge [sflag:s23], $0x1  }
0xa4: {  	[sflag:s23] =	ssyncset.done $0x0  }
0xa5: {  	s25 =	simm.s32 $0x1B8E;
	s24 =	sld [smem:$0x3FFE];
	[sflag:s23] =	ssyncadd.s32 $0xFFFFFFFF  }
0xa6: {  	s26 =	simm.s32 $execute0_lowered;
	[smem:$0x3FD2] =	sst s25  }
0xa7: {  	s6 =	sshll.u32 s26, $0x1;
	_ =	strace $0x80000046;
	[dreg:$0x1] =	wrdreg $0xFFFFFFFF  }
0xa8: {  	s28 =	simm.s32 $_size_execute0_lowered;
	s4 =	sadd.s32 s4, s6;
	[dreg:$0x0] =	wrdreg $0x0  }
0xa9: {  	s6 =	sshll.u32 s28, $0x1;
	[dreg:$0x2] =	wrdreg s4  }
0xaa: {  	[dreg:$0x3] =	wrdreg s6  }
0xab: {  	[dreg:$0x4] =	wrdreg $0xC0  }
0xac: {  	_ =	task [dreg:s8], $0x5FFFF  }
0xad: {  	[dreg:$0x1] =	wrdreg $0xFFFFFFFF  }
0xae: {  	[dreg:$0x0] =	wrdreg $0x60  }
0xaf: {  	[dreg:$0x2] =	wrdreg s2  }
0xb0: {  	[dreg:$0x3] =	wrdreg s24  }
0xb1: {  	[dreg:$0x4] =	wrdreg s18  }
0xb2: {  	[dreg:$0x5] =	wrdreg $0x171800  }
0xb3: {  	[dreg:$0x6] =	wrdreg $0x9  }
0xb4: {  	_ =	task.clear_ibuf [dreg:s8], $0x7FFFF;
	_ =	strace $0x90000046  }
0xb5: {  	s29 =	simm.s32 $0x9;
	_ =	strace $0x80000048  }
0xb6: {  	_ =	swait.ge [sflag:s29], $0x1  }
0xb7: {  	[sflag:s29] =	ssyncadd.s32 $0xFFFFFFFF  }
0xb8: {  	_ =	strace $0x90000048  }
0xb9: {  	_ =	sfence  }
0xba: {  	s30 =	sld [smem:$0x0];
	_ =	sdelay $0x2  }
0xbb: {  	s31 =	sshll.u32 s1, $0xD;
	s1 =	sshrl.u32 s1, $0x2  }
0xbc: {  	s3 =	sand.u32 $0x4000, s31;
	s1 =	sadd.s32 s1, s30  }
0xbd: {  	s0 =	sor.u32 s3, s0;
	s1 =	sshll.u32 s1, $0x11  }
0xbe: {  	s0 =	sor.u32 s1, s0  }
0xbf: {  	s0 =	sadd.s32 $0x8F2B, s0  }
0xc0: {  	[sflag:s0] =	ssyncadd.remote.s32 $0x1  }
0xc1: {  	_ =	sfence.sel $0xFFFF  }
0xc2: {  	[dreg:$0x0] =	wrdreg $0xFFFFFFFF;
	(pc) =	sbr.abs _section_cstart, $3  }
0xc3: {  	[dreg:$0x1] =	wrdreg $0xFFFFFFFF  }
0xc4: {  	_ =	task.clear_ibuf [dreg:s8], $0x2FFFF;
	_ =	strace $0x9FFFFFFF  }
0xc5: {  	(tm) =	ssettm $0x7FFFFFFF  }
tec
execute0_lowered:
.L_overlay_start_1:
0x0: {  	(tag) =	ssettag $0x1  }
0x1: {  	s1 =	rddreg [dreg:$0x0]  }
0x2: {  	s0 =	rddreg [dreg:$0x1]  }
0x3: {  	s5 =	rddreg [dreg:$0x3]  }
0x4: {  	s3 =	simm.s32 $0x0;
	s4 =	srdreg.scid;
	s2 =	stileid.u32  }
0x5: {  	s15 =	simm.s32 $0x4;
	s16 =	simm.s32 $0x4080;
	s17 =	simm.s32 $0x400  }
0x6: {  	s18 =	simm.s32 $0x800;
	s19 =	simm.s32 $0xD080;
	s20 =	simm.s32 $0x1  }
0x7: {  	s21 =	simm.s32 $0x80;
	s22 =	simm.s32 $0x10C80;
	s23 =	simm.s32 $0x2  }
0x8: {  	s25 =	simm.s32 $0x0;
	[smem:$0x7FF] =	sst s3;
	s6 =	sand.u32 $0x1, s4  }
0x9: {  	s0 =	sadd.s32 $0x400, s0;
	s8 =	sshrl.u32 s2, $0x3;
	s9 =	sand.u32 $0x7, s2  }
0xa: {  	_ =	strace $0x80000047;
	[dreg:$0x5] =	wrdreg s0;
	s26 =	ssub.s32 $0x2, s6  }
0xb: {  	s6 =	sshll.u32 s6, $0x1;
	s29 =	sshll.u32 s9, $0x7;
	s7 =	sshrl.u32 s26, $0x1  }
0xc: {  	s10 =	sor.u32 s8, s6;
	s8 =	smul.u32 $0x101000, s8;
	s6 =	sshll.u32 s9, $0x10  }
0xd: {  	s0 =	ssub.s32 s26, s7;
	s11 =	sshll.u32 s10, $0x18;
	s7 =	sshll.u32 s10, $0x5  }
.Ltmp0:
0xe: {  	s10 =	sadd.s32 $0x1180, s1;
	s28 =	sor.u32 s6, s11;
	(pc) =	sbr.rel .LBB2_1-.Ltmp0, $4  }
0xf: {  	s8 =	sshrl.u32 s8, $0x2;
	s0 =	smax.u32 s0, $0x1;
	s12 =	sshrl.u32 s28, $0x3  }
0x10: {  	s8 =	sadd.s32 s8, s5;
	[dreg:$0x8] =	wrdreg s0;
	s30 =	sadd.s32 s1, s12  }
0x11: {  	s11 =	sadd.s32 s29, s8;
	s31 =	sadd.s32 s12, s10;
	[dreg:$0x6] =	wrdreg s30  }
0x12: {  	p0 =	sne.s32 s9, $0x0;
	[dreg:$0x7] =	wrdreg s31;
	s13 =	sadd.s32 $0x32800, s11  }
.LBB2_8:
0x13: {  	s0 =	simm.s32 $0x3  }
0x14: {  	_ =	swait.ge [sflag:s0], $0x8080  }
0x15: {  	[sflag:s0] =	ssyncset.done $0x0  }
0x16: {  	[sflag:s0] =	ssyncadd.s32 $0xFFFF7F80  }
.LBB2_9:
0x17: {  	_ =	swait.ge [sflag:s20], $0x9000  }
0x18: {  	[sflag:s20] =	ssyncset.done $0x0  }
0x19: {  	[sflag:s20] =	ssyncadd.s32 $0xFFFF7000  }
0x1a: {  	_ =	swait.ge [sflag:s23], $0x3C00  }
0x1b: {  	s25 =	sadd.s32 $0x1, s25;
	s0 =	rddreg [dreg:$0x8]  }
0x1c: {  	p1 =	sne.s32 s25, s0  }
.Ltmp1:
0x1d: {  	_ = 	snop;
	(pc) =	sbr.rel @!p1 .LBB2_10-.Ltmp1, $3  }
0x1e: {  	_ =	sdelay $0x1  }
0x1f: {  	[sflag:s23] =	ssyncset.done $0x0  }
0x20: {  	[sflag:s23] =	ssyncadd.s32 $0xFFFFC400  }
.LBB2_1:
0x21: {  	s0 =	rddreg [dreg:$0x5]  }
0x22: {  	[tilespmem:s3], [sflag:$0x4] =	stream.linear.gather [hbm4b:s0+s3], $0x4080, $0x38;
	[tilespmem:$0x1F200] =	vst v63  }
0x23: {  	_ =	swait.ge [sflag:s15], $0x4080  }
.Ltmp2:
0x24: {  	[sflag:s15] =	ssyncset.done $0x0;
	(pc) =	sbr.rel .LBB2_2-.Ltmp2, $4  }
0x25: {  	s30 =	rddreg [dreg:$0x6];
	[sflag:s15] =	ssyncadd.s32 $0xFFFFBF80  }
0x26: {  	[tilespmem:s16], [sflag:$0x1] =	stream.linear.gather [hbm4b:s30+s3], $0x9000, $0x38;
	[tilespmem:$0x1F200] =	vst v63  }
0x27: {  	s26 =	simm.s32 $0x0;
	s31 =	rddreg [dreg:$0x7]  }
0x28: {  	[tilespmem:s19], [sflag:$0x2] =	stream.strided.gather [hbm4b:s31+s17], $0x3C00, s18, s17, $0x38;
	[tilespmem:$0x1F200] =	vst v63  }
.LBB2_7:
0x29: {  	p1 =	seq.s32 s28, $0x20  }
.Ltmp3:
0x2a: {  	_ = 	snop;
	(pc) =	sbr.rel @p1 .LBB2_8-.Ltmp3, $4  }
0x2b: {  	s0 =	smul.u32 $0x8080, s26;
	s2 =	stileid.u32  }
0x2c: {  	s4 =	rddreg [dreg:$0x2];
	s31 =	sshrl.u32 s8, $0x3;
	s2 =	sshll.u32 s2, $0x6  }
0x2d: {  	s26 =	smov.u32 s28;
	s0 =	sadd.s32 s4, s0;
	s2 =	sor.u32 $0x1C03, s2  }
0x2e: {  	[hbm:s0], [sflag:s2] =	dma.local [spmem:s31], $0x8080  }
.LBB2_2:
0x2f: {  	_ =	swait.ge [sflag:s20], $0x9000  }
0x30: {  	[sflag:s20] =	ssyncset.done $0x0  }
0x31: {  	s0 =	simm.s32 $0x20;
	[sflag:s20] =	ssyncadd.s32 $0xFFFF7000  }
0x32: {  	v0 =	vld [tilespmem:s0+$0x10]  }
0x33: {  	v1 =	vld [tilespmem:s0+$0xFFFFFFF0]  }
0x34: {  	v2 =	vld [tilespmem:s0+$0x0]  }
0x35: {  	v3 =	vld [tilespmem:s0+$0xFFFFFFE0];
	_ =	sdelay $0x1  }
0x36: {  	s14 =	simm.s32 $0x60  }
0x37: {  	v17 =	vld [tilespmem:s14+$0x10]  }
0x38: {  	v4 =	vshll.u32 v0, $0x3;
	v5 =	vshrl.u32 v0, $0x1;
	v6 =	vand.u32 $0xF87F, v0  }
0x39: {  	v7 =	vshll.u32 v1, $0x3;
	v8 =	vshll.u32 v2, $0x3;
	v9 =	vand.u32 $0xF87F, v3  }
0x3a: {  	v10 =	vshrl.u32 v1, $0x1;
	v11 =	vshrl.u32 v0, $0x10;
	v12 =	vshrl.u32 v0, $0xD  }
0x3b: {  	v13 =	vand.u32 $0xF87F, v1;
	v0 =	vshrl.u32 v0, $0x11;
	v15 =	vshrl.u32 v2, $0x1  }
0x3c: {  	v18 =	vshrl.u32 v17, $0xD;
	v4 =	vand.u32 $0x400, v4;
	v5 =	vand.u32 $0x380, v5  }
0x3d: {  	v14 =	vand.u32 $0xF800, v11;
	v12 =	vand.u32 $0x400, v12;
	v0 =	vand.u32 $0x380, v0  }
0x3e: {  	v11 =	vand.u32 $0x7F, v11;
	v18 =	vand.u32 $0x400, v18;
	v4 =	vor.u32 v4, v6  }
0x3f: {  	v6 =	vshll.u32 v3, $0x3;
	v12 =	vor.u32 v12, v14;
	v14 =	vand.u32 $0xF87F, v2  }
0x40: {  	v4 =	vor.u32 v5, v4;
	v5 =	vand.u32 $0x400, v6;
	v6 =	vand.u32 $0x400, v7  }
0x41: {  	v7 =	vand.u32 $0x400, v8;
	v8 =	vshrl.u32 v3, $0x1;
	v0 =	vor.u32 v0, v12  }
0x42: {  	v12 =	vshrl.u32 v2, $0x10;
	v5 =	vor.u32 v5, v9;
	v6 =	vor.u32 v6, v13  }
0x43: {  	v9 =	vor.u32 v11, v0;
	v0 =	vand.u32 $0x380, v8;
	v8 =	vand.u32 $0x380, v10  }
0x44: {  	v7 =	vor.u32 v7, v14;
	v10 =	vshrl.u32 v3, $0xD;
	v11 =	vshrl.u32 v1, $0x10  }
0x45: {  	v14 =	vshrl.u32 v2, $0xD;
	v16 =	vand.u32 $0xF800, v12;
	v2 =	vshrl.u32 v2, $0x11  }
0x46: {  	v5 =	vor.u32 v0, v5;
	v6 =	vor.u32 v8, v6;
	v0 =	vand.u32 $0x380, v15  }
0x47: {  	v8 =	vshrl.u32 v3, $0x10;
	v10 =	vand.u32 $0x400, v10;
	v15 =	vand.u32 $0xF800, v11  }
0x48: {  	v3 =	vshrl.u32 v3, $0x11;
	v14 =	vand.u32 $0x400, v14;
	v2 =	vand.u32 $0x380, v2  }
0x49: {  	v7 =	vor.u32 v0, v7;
	v0 =	vshrl.u32 v1, $0xD;
	v13 =	vand.u32 $0xF800, v8  }
0x4a: {  	v1 =	vshrl.u32 v1, $0x11;
	v3 =	vand.u32 $0x380, v3;
	v14 =	vor.u32 v14, v16  }
0x4b: {  	v8 =	vand.u32 $0x7F, v8;
	v16 =	vshrl.u32 v17, $0x10;
	v0 =	vand.u32 $0x400, v0  }
0x4c: {  	v10 =	vor.u32 v10, v13;
	v1 =	vand.u32 $0x380, v1;
	v2 =	vor.u32 v2, v14  }
0x4d: {  	v19 =	vand.u32 $0xF800, v16;
	v16 =	vand.u32 $0x7F, v16;
	v13 =	vor.u32 v0, v15;
	v15 =	vld [tilespmem:s14+$0xFFFFFFF0]  }
0x4e: {  	v0 =	vld [tilespmem:s14+$0x0];
	v3 =	vor.u32 v3, v10;
	v10 =	vand.u32 $0x7F, v11;
	v11 =	vand.u32 $0xF87F, v17  }
0x4f: {  	v4 =	vld.idx.msk [tilespmem:v4+s16+$0x0], $0xffff;
	v1 =	vor.u32 v1, v13;
	v3 =	vor.u32 v8, v3;
	v8 =	vand.u32 $0x7F, v12  }
0x50: {  	v13 =	vld [tilespmem:s14+$0xFFFFFFE0];
	v1 =	vor.u32 v10, v1;
	v10 =	vshll.u32 v17, $0x3;
	v2 =	vor.u32 v8, v2  }
0x51: {  	v5 =	vld.idx.msk [tilespmem:v5+s16+$0x0], $0xffff;
	v8 =	vand.u32 $0x400, v10;
	v10 =	vshrl.u32 v17, $0x1;
	v17 =	vshrl.u32 v17, $0x11  }
0x52: {  	v10 =	vand.u32 $0x380, v10;
	v8 =	vor.u32 v8, v11;
	v17 =	vand.u32 $0x380, v17  }
0x53: {  	s24 =	simm.s32 $0x10CC0;
	v6 =	vld.idx.msk [tilespmem:v6+s16+$0x0], $0xffff;
	v12 =	vshll.u32 v15, $0x3;
	v14 =	vshll.u32 v0, $0x3;
	v8 =	vor.u32 v10, v8  }
0x54: {  	v7 =	vld.idx.msk [tilespmem:v7+s16+$0x0], $0xffff;
	[tilespmem:s24+$0x20] =	vst v4;
	v4 =	vor.u32 v18, v19;
	v62 =	vshrl.u32 v0, $0x1;
	v63 =	vshrl.u32 v0, $0xD  }
0x55: {  	v11 =	vshll.u32 v13, $0x3;
	v61 =	vand.u32 $0xF87F, v13;
	v4 =	vor.u32 v17, v4  }
0x56: {  	v9 =	vld.idx.msk [tilespmem:v9+s16+$0x0], $0xffff;
	v17 =	vand.u32 $0xF87F, v15;
	v10 =	vand.u32 $0x400, v11;
	v11 =	vand.u32 $0x400, v12;
	[tilespmem:s24+$0xFFFFFFC0] =	vst v5  }
0x57: {  	v12 =	vand.u32 $0x400, v14;
	v14 =	vshrl.u32 v13, $0x1;
	v5 =	vshrl.u32 v15, $0x1;
	v3 =	vld.idx.msk [tilespmem:v3+s16+$0x0], $0xffff  }
0x58: {  	[tilespmem:s24+$0xFFFFFFE0] =	vst v6;
	v6 =	vand.u32 $0xF87F, v0;
	v16 =	vor.u32 v16, v4;
	v10 =	vor.u32 v10, v61;
	v8 =	vld.idx.msk [tilespmem:v8+s16+$0x0], $0xffff  }
0x59: {  	s29 =	simm.s32 $0x60;
	v11 =	vor.u32 v11, v17;
	v17 =	vld.idx.msk [tilespmem:v1+s16+$0x0], $0xffff;
	[tilespmem:s24+$0x0] =	vst v7;
	v1 =	vand.u32 $0x380, v14;
	v4 =	vand.u32 $0x380, v5  }
0x5a: {  	s5 =	sor.u32 $0x70, s29;
	v5 =	vor.u32 v12, v6;
	v6 =	vshrl.u32 v15, $0x10;
	v7 =	vld.idx.msk [tilespmem:v2+s16+$0x0], $0xffff;
	v14 =	vor.u32 v1, v10  }
0x5b: {  	v1 =	vor.u32 v4, v11;
	v2 =	vand.u32 $0x380, v62;
	v4 =	vshrl.u32 v13, $0x10;
	[tilespmem:s5+$0x10C80] =	vst v9  }
0x5c: {  	s28 =	simm.s32 $0x20;
	s30 =	simm.s32 $0x10D40;
	v10 =	vshrl.u32 v15, $0xD;
	v11 =	vand.u32 $0xF800, v6;
	v2 =	vor.u32 v2, v5;
	[tilespmem:s24+$0xFFFFFFD0] =	vst v3  }
0x5d: {  	s31 =	simm.s32 $0x40;
	v12 =	vand.u32 $0x400, v10;
	v9 =	vshrl.u32 v13, $0xD;
	s5 =	sor.u32 $0x30, s28;
	v3 =	vshrl.u32 v0, $0x10;
	[tilespmem:s30+$0x20] =	vst v8  }
0x5e: {  	s9 =	sor.u32 $0x50, s31;
	v13 =	vshrl.u32 v13, $0x11;
	v9 =	vand.u32 $0x400, v9;
	[tilespmem:s5+$0x10C80] =	vst v17;
	v10 =	vand.u32 $0xF800, v3;
	v5 =	vld.idx.msk [tilespmem:v16+s16+$0x0], $0xffff  }
0x5f: {  	s0 =	simm.s32 $0x4;
	s24 =	simm.s32 $0xA0;
	[tilespmem:s9+$0x10C80] =	vst v7;
	v7 =	vld.idx.msk [tilespmem:v14+s16+$0x0], $0xffff;
	v14 =	vshrl.u32 v15, $0x11;
	v15 =	vand.u32 $0x400, v63;
	v8 =	vand.u32 $0xF800, v4  }
.LBB2_3:
0x60: {  	v16 =	vld [tilespmem:s24+$0x10];
	s0 =	sadd.s32 $0x4, s0;
	v8 =	vor.u32 v9, v8;
	v9 =	vor.u32 v12, v11;
	v11 =	vshrl.u32 v0, $0x11  }
0x61: {  	v12 =	vand.u32 $0x380, v13;
	v13 =	vand.u32 $0x380, v14;
	v10 =	vor.u32 v15, v10;
	s29 =	sadd.s32 $0x80, s29;
	v17 =	vld [tilespmem:s24+$0xFFFFFFF0];
	p1 =	slt.u32 s0, $0x324  }
0x62: {  	v8 =	vor.u32 v12, v8;
	s5 =	sadd.s32 $0xFFFFFFC0, s29;
	v9 =	vor.u32 v13, v9;
	s12 =	sadd.s32 $0xFFFFFFE0, s29;
	v11 =	vand.u32 $0x380, v11;
	s28 =	sor.u32 $0x70, s29;
	v0 =	vld [tilespmem:s24+$0x0]  }
0x63: {  	v4 =	vand.u32 $0x7F, v4;
	v6 =	vand.u32 $0x7F, v6;
	s9 =	sor.u32 $0x30, s5;
	v10 =	vor.u32 v11, v10;
	s5 =	sor.u32 $0x50, s12;
	v13 =	vld [tilespmem:s24+$0xFFFFFFE0];
	[tilespmem:s28+$0x10C80] =	vst v5  }
0x64: {  	v3 =	vand.u32 $0x7F, v3;
	v4 =	vor.u32 v4, v8;
	v5 =	vor.u32 v6, v9;
	v1 =	vld.idx.msk [tilespmem:v1+s16+$0x0], $0xffff  }
0x65: {  	v3 =	vor.u32 v3, v10;
	v6 =	vshll.u32 v16, $0x3;
	[tilespmem:s30+$0xFFFFFFC0] =	vst v7;
	v2 =	vld.idx.msk [tilespmem:v2+s16+$0x0], $0xffff  }
0x66: {  	v7 =	vshrl.u32 v16, $0x1;
	v8 =	vand.u32 $0xF87F, v16;
	v6 =	vand.u32 $0x400, v6  }
0x67: {  	v9 =	vshll.u32 v17, $0x3;
	v7 =	vand.u32 $0x380, v7;
	v6 =	vor.u32 v6, v8  }
0x68: {  	v10 =	vshll.u32 v0, $0x3;
	v8 =	vshll.u32 v13, $0x3;
	v6 =	vor.u32 v7, v6  }
0x69: {  	v7 =	vand.u32 $0x400, v8;
	v8 =	vand.u32 $0x400, v9;
	v9 =	vand.u32 $0x400, v10;
	v4 =	vld.idx.msk [tilespmem:v4+s16+$0x0], $0xffff  }
0x6a: {  	v12 =	vshrl.u32 v17, $0x1;
	v11 =	vand.u32 $0xF87F, v13;
	v10 =	vshrl.u32 v13, $0x1;
	[tilespmem:s30+$0xFFFFFFE0] =	vst v1  }
0x6b: {  	v14 =	vshrl.u32 v16, $0x10;
	v15 =	vshrl.u32 v16, $0xD;
	v1 =	vand.u32 $0xF87F, v17;
	v5 =	vld.idx.msk [tilespmem:v5+s16+$0x0], $0xffff;
	[tilespmem:s30+$0x0] =	vst v2  }
0x6c: {  	v16 =	vshrl.u32 v16, $0x11;
	v15 =	vand.u32 $0x400, v15;
	v2 =	vand.u32 $0xF800, v14;
	v3 =	vld.idx.msk [tilespmem:v3+s16+$0x0], $0xffff  }
0x6d: {  	v18 =	vshrl.u32 v0, $0x1;
	v2 =	vor.u32 v15, v2;
	v19 =	vld.idx.msk [tilespmem:v6+s16+$0x0], $0xffff;
	v6 =	vand.u32 $0x380, v16  }
0x6e: {  	v14 =	vand.u32 $0x7F, v14;
	v15 =	vand.u32 $0xF87F, v0;
	v2 =	vor.u32 v6, v2  }
0x6f: {  	v1 =	vor.u32 v8, v1;
	v6 =	vor.u32 v7, v11;
	v7 =	vor.u32 v14, v2;
	[tilespmem:s30+$0xFFFFFFD0] =	vst v4  }
0x70: {  	v8 =	vor.u32 v9, v15;
	v2 =	vand.u32 $0x380, v10;
	v4 =	vand.u32 $0x380, v12  }
0x71: {  	v14 =	vor.u32 v2, v6;
	v1 =	vor.u32 v4, v1;
	v2 =	vand.u32 $0x380, v18;
	[tilespmem:s9+$0x10C80] =	vst v5  }
.Ltmp4:
0x72: {  	s30 =	sadd.s32 $0x80, s30;
	v4 =	vshrl.u32 v13, $0x10;
	v5 =	vshrl.u32 v13, $0xD;
	v2 =	vor.u32 v2, v8;
	[tilespmem:s5+$0x10C80] =	vst v3;
	(pc) =	sbr.rel @p1 .LBB2_3-.Ltmp4, $4  }
0x73: {  	v10 =	vshrl.u32 v17, $0xD;
	v6 =	vshrl.u32 v17, $0x10;
	v3 =	vshrl.u32 v0, $0x10;
	[tilespmem:s30+$0x20] =	vst v19  }
0x74: {  	v15 =	vshrl.u32 v0, $0xD;
	v8 =	vand.u32 $0xF800, v4;
	v9 =	vand.u32 $0x400, v5;
	v5 =	vld.idx.msk [tilespmem:v7+s16+$0x0], $0xffff  }
0x75: {  	v12 =	vand.u32 $0x400, v10;
	v11 =	vand.u32 $0xF800, v6;
	v10 =	vand.u32 $0xF800, v3  }
0x76: {  	s24 =	sadd.s32 $0x40, s24;
	v15 =	vand.u32 $0x400, v15;
	v13 =	vshrl.u32 v13, $0x11;
	v7 =	vld.idx.msk [tilespmem:v14+s16+$0x0], $0xffff;
	v14 =	vshrl.u32 v17, $0x11  }
0x77: {  	_ = 	snop  }
0x78: {  	v8 =	vor.u32 v9, v8;
	v9 =	vor.u32 v12, v11;
	v0 =	vshrl.u32 v0, $0x11  }
0x79: {  	v11 =	vand.u32 $0x380, v13;
	v47 =	vand.u32 $0x380, v14;
	v10 =	vor.u32 v15, v10  }
0x7a: {  	v4 =	vand.u32 $0x7F, v4;
	v6 =	vand.u32 $0x7F, v6;
	v8 =	vor.u32 v11, v8  }
0x7b: {  	v1 =	vld.idx.msk [tilespmem:v1+s16+$0x0], $0xffff;
	v9 =	vor.u32 v47, v9;
	v0 =	vand.u32 $0x380, v0;
	v4 =	vor.u32 v4, v8  }
0x7c: {  	v3 =	vand.u32 $0x7F, v3;
	v2 =	vld.idx.msk [tilespmem:v2+s16+$0x0], $0xffff;
	v0 =	vor.u32 v0, v10;
	v6 =	vor.u32 v6, v9  }
0x7d: {  	v0 =	vor.u32 v3, v0;
	_ =	sdelay $0x1  }
0x7e: {  	[tilespmem:s30+$0xFFFFFFC0] =	vst v7  }
0x7f: {  	[tilespmem:s30+$0xFFFFFFE0] =	vst v1;
	v3 =	vld.idx.msk [tilespmem:v4+s16+$0x0], $0xffff  }
0x80: {  	s28 =	sadd.s32 $0x1, s26;
	[tilespmem:s30+$0x0] =	vst v2;
	v1 =	vld.idx.msk [tilespmem:v6+s16+$0x0], $0xffff  }
0x81: {  	s0 =	sadd.s32 $0x80, s29;
	s5 =	smin.u32 s28, $0x1F;
	v0 =	vld.idx.msk [tilespmem:v0+s16+$0x0], $0xffff  }
0x82: {  	s9 =	sor.u32 $0x70, s0;
	s5 =	sor.u32 s7, s5  }
0x83: {  	p1 =	seq.s32 @!p0 s26, $0x0;
	s12 =	sadd.s32 $0xFFFFFFC0, s0;
	[tilespmem:s9+$0x10C80] =	vst v5;
	s5 =	sshll.u32 s5, $0x13  }
0x84: {  	s0 =	sadd.s32 $0xFFFFFFE0, s0;
	s14 =	sor.u32 $0x30, s12;
	s5 =	sor.u32 s6, s5;
	[tilespmem:s30+$0xFFFFFFD0] =	vst v3  }
0x85: {  	p1 =	por p1, p0;
	s0 =	sor.u32 $0x50, s0;
	s29 =	sshrl.u32 s5, $0x3;
	[tilespmem:s14+$0x10C80] =	vst v1  }
0x86: {  	s24 =	sadd.s32 s1, s29;
	[tilespmem:s0+$0x10C80] =	vst v0;
	s0 =	simm.s32 @!p1 $0x3  }
0x87: {  	[tilespmem:s16], [sflag:$0x1] =	stream.linear.gather [hbm4b:s24+s3], $0x9000, $0x38;
	[tilespmem:$0x1F200] =	vst v63  }
0x88: {  	_ =	swait.ge @!p1 [sflag:s0], $0x8080  }
0x89: {  	[sflag:s0] =	ssyncset.done @!p1 $0x0  }
0x8a: {  	[sflag:s0] =	ssyncadd.s32 @!p1 $0xFFFF7F80  }
0x8b: {  	[bflag:$0x0] =	sbarrier.arrive $0xFFFF  }
0x8c: {  	[spmem:s11] =	stream.strided.scatter [tilespmem:s22], [sflag:$0x4], $0x6500, s17, s21, $0x38;
	[tilespmem:$0x1F200] =	vst v63  }
0x8d: {  	_ =	swait.ge [sflag:s15], $0x6500  }
0x8e: {  	[sflag:s15] =	ssyncset.done $0x0  }
0x8f: {  	[sflag:s15] =	ssyncadd.s32 $0xFFFF9B00  }
0x90: {  	_ =	swait.ge [sflag:s23], $0x3C00  }
0x91: {  	s2 =	simm.s32 $0x30;
	[sflag:s23] =	ssyncset.done $0x0  }
0x92: {  	s4 =	simm.s32 $0x10;
	s0 =	sand.u32 $0xFF0, s2;
	[sflag:s23] =	ssyncadd.s32 $0xFFFFC400  }
0x93: {  	s5 =	sand.u32 $0xFD0, s4;
	v0 =	vld [tilespmem:s0+$0x3280]  }
0x94: {  	s9 =	simm.s32 $0x20;
	v1 =	vld [tilespmem:s5+$0x3280]  }
0x95: {  	s12 =	simm.s32 $0x0;
	s0 =	sand.u32 $0xFE0, s9  }
0x96: {  	s5 =	sand.u32 $0xFC0, s12;
	v2 =	vld [tilespmem:s0+$0x3280]  }
0x97: {  	v3 =	vld [tilespmem:s5+$0x3280];
	_ =	sdelay $0x1  }
0x98: {  	v4 =	vshrl.u32 v0, $0x1;
	v5 =	vshrl.u32 v1, $0x1  }
0x99: {  	v6 =	vand.u32 $0x80, v0;
	v7 =	vand.u32 $0x7F, v0;
	v4 =	vand.u32 $0x7F80, v4  }
0x9a: {  	v5 =	vand.u32 $0x7F80, v5;
	v8 =	vshrl.u32 v2, $0x1;
	v9 =	vand.u32 $0x80, v2  }
0x9b: {  	v10 =	vand.u32 $0x80, v3;
	v11 =	vand.u32 $0x7F, v3;
	v4 =	vadd.s32 v6, v4  }
0x9c: {  	v6 =	vand.u32 $0x80, v1;
	v8 =	vand.u32 $0x7F80, v8;
	v4 =	vor.u32 v7, v4  }
0x9d: {  	v7 =	vshrl.u32 v3, $0x1;
	v8 =	vadd.s32 v9, v8;
	v9 =	vand.u32 $0x7F, v2  }
0x9e: {  	v5 =	vadd.s32 v6, v5;
	v7 =	vand.u32 $0x7F80, v7;
	v8 =	vor.u32 v9, v8  }
0x9f: {  	v9 =	vshrl.u32 v1, $0x10;
	v6 =	vadd.s32 v10, v7;
	v7 =	vand.u32 $0x7F, v1  }
0xa0: {  	v10 =	vshrl.u32 v0, $0x10;
	v0 =	vshrl.u32 v0, $0x11;
	v50 =	vand.u32 $0x80, v9  }
0xa1: {  	v0 =	vand.u32 $0x7F80, v0;
	v48 =	vand.u32 $0x80, v10;
	v5 =	vor.u32 v7, v5  }
0xa2: {  	s14 =	simm.s32 $0x70;
	v7 =	vand.u32 $0x7F, v10;
	v6 =	vor.u32 v11, v6;
	v10 =	vshrl.u32 v2, $0x10  }
0xa3: {  	s0 =	sand.u32 $0xFF0, s14;
	v11 =	vshrl.u32 v3, $0x10;
	v2 =	vshrl.u32 v2, $0x11;
	v0 =	vadd.s32 v48, v0  }
0xa4: {  	s24 =	simm.s32 $0x50;
	v7 =	vor.u32 v7, v0;
	v0 =	vshrl.u32 v1, $0x11;
	v1 =	vshrl.u32 v3, $0x11;
	v3 =	vld [tilespmem:s0+$0x3280]  }
0xa5: {  	s5 =	sand.u32 $0xFD0, s24;
	v9 =	vand.u32 $0x7F, v9;
	v51 =	vand.u32 $0x80, v11;
	v2 =	vand.u32 $0x7F80, v2;
	v4 =	vld.idx.msk [tilespmem:v4+s19+$0x0], $0xffff  }
0xa6: {  	s2 =	simm.s32 $0x60;
	v52 =	vand.u32 $0x80, v10;
	v11 =	vand.u32 $0x7F, v11;
	v49 =	vand.u32 $0x7F80, v0;
	v0 =	vld [tilespmem:s5+$0x3280]  }
0xa7: {  	s4 =	simm.s32 $0x40;
	v10 =	vand.u32 $0x7F, v10;
	s0 =	sand.u32 $0xFE0, s2;
	v53 =	vadd.s32 v52, v2;
	v1 =	vand.u32 $0x7F80, v1  }
0xa8: {  	s5 =	sand.u32 $0xFC0, s4;
	v10 =	vor.u32 v10, v53;
	v14 =	vadd.s32 v51, v1;
	v12 =	vadd.s32 v50, v49;
	v1 =	vld [tilespmem:s0+$0x3280]  }
0xa9: {  	v2 =	vld [tilespmem:s5+$0x3280];
	v11 =	vor.u32 v11, v14;
	v9 =	vor.u32 v9, v12;
	v54 =	vshrl.u32 v3, $0x1  }
0xaa: {  	s30 =	simm.s32 $0x10CC0;
	v8 =	vld.idx.msk [tilespmem:v8+s19+$0x0], $0xffff;
	v55 =	vand.u32 $0x80, v3;
	v56 =	vand.u32 $0x7F, v3;
	v61 =	vshrl.u32 v3, $0x10  }
0xab: {  	[tilespmem:s30+$0x20] =	vst v4;
	v4 =	vld.idx.msk [tilespmem:v5+s19+$0x0], $0xffff;
	v3 =	vshrl.u32 v3, $0x11;
	v5 =	vshrl.u32 v0, $0x1;
	v12 =	vand.u32 $0x7F80, v54  }
0xac: {  	v59 =	vld.idx.msk [tilespmem:v6+s19+$0x0], $0xffff;
	v57 =	vand.u32 $0x80, v0;
	v17 =	vand.u32 $0x7F, v0;
	v12 =	vadd.s32 v55, v12  }
0xad: {  	v7 =	vld.idx.msk [tilespmem:v7+s19+$0x0], $0xffff;
	v3 =	vand.u32 $0x7F80, v3;
	v62 =	vand.u32 $0x80, v61;
	v12 =	vor.u32 v56, v12  }
0xae: {  	v5 =	vand.u32 $0x7F80, v5;
	v58 =	vshrl.u32 v1, $0x1;
	v6 =	vshrl.u32 v2, $0x1  }
0xaf: {  	[tilespmem:s30+$0x0] =	vst v8;
	v16 =	vand.u32 $0x80, v1;
	v60 =	vand.u32 $0x80, v2;
	v5 =	vadd.s32 v57, v5  }
0xb0: {  	s31 =	simm.s32 $0x60;
	v15 =	vand.u32 $0x7F80, v58;
	v6 =	vand.u32 $0x7F80, v6;
	v8 =	vor.u32 v17, v5;
	v5 =	vld.idx.msk [tilespmem:v10+s19+$0x0], $0xffff;
	[tilespmem:s30+$0xFFFFFFE0] =	vst v4  }
0xb1: {  	s26 =	sadd.s32 s7, s26;
	s9 =	sor.u32 $0x70, s31;
	s12 =	simm.s32 $0x20;
	v63 =	vand.u32 $0x7F, v61;
	[tilespmem:s30+$0xFFFFFFC0] =	vst v59;
	v13 =	vadd.s32 v60, v6;
	v15 =	vadd.s32 v16, v15;
	v6 =	vld.idx.msk [tilespmem:v9+s19+$0x0], $0xffff  }
0xb2: {  	s24 =	simm.s32 $0x4;
	s14 =	simm.s32 $0x40;
	s12 =	sor.u32 $0x30, s12;
	[tilespmem:s9+$0x10C80] =	vst v7;
	v7 =	vand.u32 $0x7F, v1;
	v9 =	vand.u32 $0x7F, v2;
	v4 =	vld.idx.msk [tilespmem:v12+s19+$0x0], $0xffff;
	v12 =	vadd.s32 v62, v3  }
0xb3: {  	s5 =	sor.u32 $0x50, s14;
	s0 =	simm.s32 $0x10CC0;
	s9 =	simm.s32 $0x80;
	v3 =	vor.u32 v9, v13;
	v9 =	vor.u32 v7, v15;
	v7 =	vld.idx.msk [tilespmem:v11+s19+$0x0], $0xffff;
	v10 =	vor.u32 v63, v12  }
.LBB2_5:
0xb4: {  	s14 =	sadd.s32 $0x10, s9;
	s2 =	sadd.s32 $0x30, s9;
	s24 =	sadd.s32 $0x4, s24;
	v11 =	vshrl.u32 v0, $0x10;
	v0 =	vshrl.u32 v0, $0x11;
	v12 =	vshrl.u32 v1, $0x10  }
0xb5: {  	s4 =	sadd.s32 $0x20, s9;
	v13 =	vshrl.u32 v2, $0x10;
	v2 =	vshrl.u32 v2, $0x11;
	v1 =	vshrl.u32 v1, $0x11;
	s2 =	sand.u32 $0xFF0, s2;
	p1 =	slt.u32 s24, $0xD8  }
0xb6: {  	s30 =	sadd.s32 $0x80, s30;
	s14 =	sand.u32 $0xFD0, s14;
	s4 =	sand.u32 $0xFE0, s4;
	v15 =	vand.u32 $0x7F80, v0;
	v16 =	vand.u32 $0x80, v11;
	v1 =	vand.u32 $0x7F80, v1;
	v14 =	vld [tilespmem:s2+$0x3280];
	[tilespmem:s12+$0x10C80] =	vst v6  }
0xb7: {  	v2 =	vand.u32 $0x7F80, v2;
	v17 =	vand.u32 $0x80, v12;
	s2 =	sand.u32 $0xFC0, s9;
	v6 =	vand.u32 $0x80, v13;
	v0 =	vld [tilespmem:s14+$0x3280];
	[tilespmem:s30+$0x20] =	vst v4  }
0xb8: {  	v4 =	vadd.s32 v6, v2;
	v6 =	vadd.s32 v16, v15;
	v15 =	vadd.s32 v17, v1;
	v10 =	vld.idx.msk [tilespmem:v10+s19+$0x0], $0xffff  }
0xb9: {  	v11 =	vand.u32 $0x7F, v11;
	v12 =	vand.u32 $0x7F, v12;
	v13 =	vand.u32 $0x7F, v13;
	v1 =	vld [tilespmem:s4+$0x3280];
	[tilespmem:s5+$0x10C80] =	vst v5  }
0xba: {  	v13 =	vor.u32 v13, v4;
	v4 =	vor.u32 v11, v6;
	v5 =	vor.u32 v12, v15;
	v2 =	vld [tilespmem:s2+$0x3280];
	[tilespmem:s0+$0xFFFFFFD0] =	vst v7;
	s0 =	smov.u32 s30  }
0xbb: {  	v6 =	vshrl.u32 v14, $0x1;
	v7 =	vld.idx.msk [tilespmem:v8+s19+$0x0], $0xffff  }
0xbc: {  	s31 =	sadd.s32 $0x80, s31;
	v11 =	vand.u32 $0x80, v14;
	v8 =	vshrl.u32 v0, $0x1;
	v6 =	vand.u32 $0x7F80, v6;
	v9 =	vld.idx.msk [tilespmem:v9+s19+$0x0], $0xffff  }
0xbd: {  	s14 =	sor.u32 $0x70, s31;
	s4 =	sadd.s32 $0xFFFFFFE0, s31;
	s2 =	sadd.s32 $0xFFFFFFC0, s31;
	v12 =	vand.u32 $0x7F, v14;
	v8 =	vand.u32 $0x7F80, v8;
	v6 =	vadd.s32 v11, v6;
	v3 =	vld.idx.msk [tilespmem:v3+s19+$0x0], $0xffff  }
0xbe: {  	s5 =	sor.u32 $0x50, s4;
	s12 =	sor.u32 $0x30, s2;
	v11 =	vand.u32 $0x80, v0;
	v15 =	vshrl.u32 v1, $0x1;
	v12 =	vor.u32 v12, v6;
	[tilespmem:s14+$0x10C80] =	vst v10  }
0xbf: {  	v10 =	vand.u32 $0x80, v1;
	v6 =	vshrl.u32 v2, $0x1;
	v15 =	vand.u32 $0x7F80, v15  }
0xc0: {  	v8 =	vadd.s32 v11, v8;
	v16 =	vand.u32 $0x80, v2;
	v6 =	vand.u32 $0x7F80, v6  }
.Ltmp5:
0xc1: {  	v10 =	vadd.s32 v10, v15;
	v11 =	vadd.s32 v16, v6;
	v16 =	vand.u32 $0x7F, v0;
	[tilespmem:s30+$0xFFFFFFE0] =	vst v7;
	(pc) =	sbr.rel @p1 .LBB2_5-.Ltmp5, $4  }
0xc2: {  	v15 =	vshrl.u32 v14, $0x10;
	v14 =	vshrl.u32 v14, $0x11;
	v7 =	vand.u32 $0x7F, v1;
	v6 =	vld.idx.msk [tilespmem:v4+s19+$0x0], $0xffff;
	[tilespmem:s30+$0x0] =	vst v9  }
0xc3: {  	v9 =	vand.u32 $0x7F, v2;
	v4 =	vld.idx.msk [tilespmem:v12+s19+$0x0], $0xffff;
	v12 =	vand.u32 $0x7F80, v14;
	v14 =	vand.u32 $0x80, v15;
	[tilespmem:s30+$0xFFFFFFC0] =	vst v3  }
0xc4: {  	v8 =	vor.u32 v16, v8;
	v15 =	vand.u32 $0x7F, v15;
	v12 =	vadd.s32 v14, v12;
	v5 =	vld.idx.msk [tilespmem:v5+s19+$0x0], $0xffff  }
0xc5: {  	s9 =	sadd.s32 $0x40, s9;
	v3 =	vor.u32 v9, v11;
	v9 =	vor.u32 v7, v10;
	v10 =	vor.u32 v15, v12;
	v7 =	vld.idx.msk [tilespmem:v13+s19+$0x0], $0xffff  }
0xc6: {  	v11 =	vshrl.u32 v0, $0x10;
	v59 =	vshrl.u32 v0, $0x11  }
0xc7: {  	v12 =	vshrl.u32 v1, $0x10;
	v13 =	vshrl.u32 v2, $0x10;
	v60 =	vshrl.u32 v2, $0x11  }
0xc8: {  	v61 =	vshrl.u32 v1, $0x11;
	v0 =	vand.u32 $0x7F80, v59;
	v14 =	vand.u32 $0x80, v11  }
0xc9: {  	v1 =	vand.u32 $0x7F80, v61;
	v2 =	vand.u32 $0x7F80, v60;
	v15 =	vand.u32 $0x80, v13  }
0xca: {  	v8 =	vld.idx.msk [tilespmem:v8+s19+$0x0], $0xffff;
	v62 =	vand.u32 $0x80, v12;
	v11 =	vand.u32 $0x7F, v11;
	v0 =	vadd.s32 v14, v0  }
0xcb: {  	v9 =	vld.idx.msk [tilespmem:v9+s19+$0x0], $0xffff;
	v12 =	vand.u32 $0x7F, v12;
	v1 =	vadd.s32 v62, v1;
	v0 =	vor.u32 v11, v0  }
0xcc: {  	v3 =	vld.idx.msk [tilespmem:v3+s19+$0x0], $0xffff;
	v63 =	vand.u32 $0x7F, v13;
	v2 =	vadd.s32 v15, v2;
	v1 =	vor.u32 v12, v1  }
0xcd: {  	s2 =	sadd.s32 $0x80, s30;
	[tilespmem:s12+$0x10C80] =	vst v6;
	v2 =	vor.u32 v63, v2  }
0xce: {  	[tilespmem:s2+$0x20] =	vst v4  }
0xcf: {  	v4 =	vld.idx.msk [tilespmem:v10+s19+$0x0], $0xffff;
	[tilespmem:s2+$0xFFFFFFE0] =	vst v8  }
0xd0: {  	[tilespmem:s2+$0x0] =	vst v9;
	v0 =	vld.idx.msk [tilespmem:v0+s19+$0x0], $0xffff  }
0xd1: {  	[tilespmem:s2+$0xFFFFFFC0] =	vst v3;
	v1 =	vld.idx.msk [tilespmem:v1+s19+$0x0], $0xffff  }
0xd2: {  	s4 =	sadd.s32 $0x80, s31;
	[tilespmem:s5+$0x10C80] =	vst v5;
	v2 =	vld.idx.msk [tilespmem:v2+s19+$0x0], $0xffff  }
0xd3: {  	s24 =	sadd.s32 $0xFFFFFFC0, s4;
	s30 =	sor.u32 $0x70, s4;
	[tilespmem:s0+$0xFFFFFFD0] =	vst v7  }
0xd4: {  	s4 =	sadd.s32 $0xFFFFFFE0, s4;
	s0 =	sor.u32 $0x30, s24;
	[tilespmem:s30+$0x10C80] =	vst v4  }
0xd5: {  	s4 =	sor.u32 $0x50, s4;
	[tilespmem:s0+$0x10C80] =	vst v0  }
0xd6: {  	[tilespmem:s4+$0x10C80] =	vst v1  }
0xd7: {  	s31 =	sadd.s32 s29, s10;
	[tilespmem:s2+$0xFFFFFFD0] =	vst v2  }
0xd8: {  	[tilespmem:s19], [sflag:$0x2] =	stream.strided.gather [hbm4b:s31+s17], $0x3C00, s18, s17, $0x38;
	[tilespmem:$0x1F200] =	vst v63  }
0xd9: {  	_ = 	snop  }
0xda: {  	[spmem:s13] =	stream.strided.scatter [tilespmem:s22], [sflag:$0x4], $0x1B80, s17, s21, $0x38;
	[tilespmem:$0x1F200] =	vst v63  }
.Ltmp6:
0xdb: {  	_ =	swait.ge [sflag:s15], $0x1B80;
	(pc) =	sbr.rel @!p0 .LBB2_7-.Ltmp6, $3  }
0xdc: {  	[sflag:s15] =	ssyncset.done $0x0  }
0xdd: {  	[sflag:s15] =	ssyncadd.s32 $0xFFFFE480  }
0xde: {  	[bflag:$0x0] =	sbarrier.arrive $0xFFFF;
	_ =	sdelay $0x1  }
0xdf: {  	p1 =	seq.s32 s28, $0x20  }
.Ltmp7:
0xe0: {  	_ = 	snop;
	(pc) =	sbr.rel @!p1 .LBB2_2-.Ltmp7, $4  }
.Ltmp8:
0xe1: {  	_ = 	snop;
	(pc) =	sbr.rel @p1 .LBB2_9-.Ltmp8, $4  }
0xe2: {  	_ = 	snop  }
0xe3: {  	_ = 	snop  }
0xe4: {  	s26 =	smov.u32 s28  }
0xe5: {  	_ = 	snop  }
.LBB2_10:
0xe6: {  	_ =	sfence.sel $0x180000  }
0xe7: {  	[bflag:$0x0] =	sbarrier.arrive $0xFFFF  }
0xe8: {  	_ =	strace $0x90000047  }
0xe9: {  	s0 =	stileid.u32;
	[bflag:$0x2] =	sbarrier.arrive $0xFFFF  }
0xea: {  	p0 =	sne.s32 s0, $0x0;
	s0 =	rddreg [dreg:$0x4]  }
0xeb: {  	s0 =	sadd.s32 @!p0 $0x100000, s0  }
0xec: {  	[sflag:s0] =	ssyncadd.tile.s32 @!p0 $0x1;
	_ =	shalt  }
.Lfunc_end2:
_tile_overlayer_lowered:
.L_overlay_start_2:
0xed: {  	(tag) =	ssettag $0x2  }
0xee: {  	s0 =	rddreg [dreg:$0x0];
	s2 =	stileid.u32  }
0xef: {  	s1 =	rddreg [dreg:$0x1];
	p0 =	sne.s32 s2, $0x0  }
0xf0: {  	s3 =	rddreg [dreg:$0x2];
	[bflag:$0x3] =	sbarrier.arrive $0xFFFF;
	s2 =	simm.s32 @!p0 $0x1C04  }
0xf1: {  	[timem:s3], [sflag:s2] =	dma.local @!p0 [hbm:s0], s1  }
0xf2: {  	s0 =	simm.s32 @!p0 $0x4  }
0xf3: {  	_ =	swait.ge @!p0 [sflag:s0], s1  }
0xf4: {  	s1 =	ssub.s32 @!p0 $0x0, s1;
	[sflag:s0] =	ssyncset.done @!p0 $0x0  }
0xf5: {  	[sflag:s0] =	ssyncadd.s32 @!p0 s1  }
0xf6: {  	[bflag:$0x3] =	sbarrier.arrive $0xFFFF  }
0xf7: {  	_ =	shalt  }

</sc_bundles>
